<compile_context>
chip_gen: v7x
topology: tpu7x:2x2x1
jax: 0.10.2.dev20260603
libtpu: 0.0.44.dev20260713+nightly
codegen_flags: <defaults>
</compile_context>

<pallas_src>
import functools

import jax
import jax.numpy as jnp
from jax import lax
from jax.experimental import pallas as pl
from jax.experimental.pallas import tpu as pltpu
from jax.experimental.pallas import tpu_sc as plsc

N = 10000
NPAD = 10240
E = 320000
D = 128

NC = 2
NS = 16
NW = NC * NS
EPW = E // NW
CH = 80
NCH = EPW // CH
RPS = NPAD // NS

_mesh = plsc.VectorSubcoreMesh(core_axis_name="c", subcore_axis_name="s")


def _fill(buf, nrows, ncols16, val):
  v = jnp.full((16,), val, jnp.float32)

  @pl.loop(0, nrows)
  def _(i):
    for j in range(ncols16):
      buf[i, pl.ds(j * 16, 16)] = v


@functools.partial(
    pl.kernel,
    out_type=jax.ShapeDtypeStruct((NW, NPAD), jnp.float32),
    mesh=_mesh,
    scratch_types=[
        pltpu.VMEM((NCH, CH), jnp.int32),
        pltpu.VMEM((NPAD,), jnp.float32),
    ],
    compiler_params=pltpu.CompilerParams(needs_layout_passes=False),
)
def _deg_kernel(ei_hbm, out_hbm, idx_v, hist):
  c = lax.axis_index("c")
  s = lax.axis_index("s")
  wid = s * NC + c

  zeros16 = jnp.zeros((16,), jnp.float32)

  @pl.loop(0, NPAD // 16, unroll=8)
  def _(i):
    hist[pl.ds(i * 16, 16)] = zeros16

  pltpu.sync_copy(ei_hbm.at[1, wid], idx_v)
  ones16 = jnp.full((16,), 1.0, jnp.float32)

  @pl.loop(0, NCH, unroll=4)
  def _(j):
    for m in range(CH // 16):
      idx16 = idx_v[j, pl.ds(m * 16, 16)]
      plsc.addupdate_scatter(hist, [idx16], ones16)

  pltpu.sync_copy(hist, out_hbm.at[wid])


@functools.partial(
    pl.kernel,
    out_type=jax.ShapeDtypeStruct((NC, NPAD, D), jnp.float32),
    mesh=_mesh,
    scratch_types=[
        pltpu.VMEM((EPW,), jnp.int32),
        pltpu.VMEM((NCH, CH), jnp.int32),
        pltpu.VMEM((CH, D), jnp.float32),
        pltpu.VMEM((CH, D), jnp.float32),
        pltpu.VMEM_SHARED((NPAD, D), jnp.float32),
        pltpu.SemaphoreType.DMA,
        pltpu.SemaphoreType.DMA,
        pltpu.SemaphoreType.DMA,
    ],
)
def _agg_kernel(h_hbm, src_hbm, ei_hbm, out_hbm,
                src_v, dst_v, buf0, buf1, acc, sem0, sem1, zsem):
  c = lax.axis_index("c")
  s = lax.axis_index("s")
  wid = s * NC + c
  _fill(buf0, CH, D // 16, 0.0)
  for k in range(RPS // CH):
    pltpu.async_copy(buf0, acc.at[pl.ds(s * RPS + k * CH, CH)], zsem)
  pltpu.async_copy(src_hbm.at[wid], src_v, sem0)
  pltpu.async_copy(ei_hbm.at[1, wid], dst_v, sem1)
  pltpu.make_async_copy(src_hbm.at[wid], src_v, sem0).wait()
  pltpu.make_async_copy(ei_hbm.at[1, wid], dst_v, sem1).wait()
  for k in range(RPS // CH):
    pltpu.make_async_copy(buf0, acc.at[pl.ds(s * RPS + k * CH, CH)], zsem).wait()
  pltpu.async_copy(h_hbm.at[src_v.at[pl.ds(0, CH)]], buf0, sem0)
  pltpu.async_copy(h_hbm.at[src_v.at[pl.ds(CH, CH)]], buf1, sem1)
  plsc.subcore_barrier()

  @pl.loop(0, NCH - 1, step=2)
  def _(j):
    pltpu.make_async_copy(h_hbm.at[src_v.at[pl.ds(j * CH, CH)]], buf0, sem0).wait()
    pltpu.sync_copy(buf0, acc.at[dst_v.at[j]], add=True)
    pltpu.async_copy(h_hbm.at[src_v.at[pl.ds((j + 2) * CH, CH)]], buf0, sem0)
    pltpu.make_async_copy(h_hbm.at[src_v.at[pl.ds((j + 1) * CH, CH)]], buf1, sem1).wait()
    pltpu.sync_copy(buf1, acc.at[dst_v.at[j + 1]], add=True)

    @pl.when(j + 3 < NCH)
    def _():
      pltpu.async_copy(h_hbm.at[src_v.at[pl.ds((j + 3) * CH, CH)]], buf1, sem1)

  pltpu.make_async_copy(h_hbm.at[src_v.at[pl.ds((NCH - 1) * CH, CH)]], buf0, sem0).wait()
  pltpu.sync_copy(buf0, acc.at[dst_v.at[NCH - 1]], add=True)

  plsc.subcore_barrier()
  pltpu.sync_copy(acc.at[pl.ds(s * RPS, RPS)],
                  out_hbm.at[c, pl.ds(s * RPS, RPS)])


BN = 2048
_GRID = (N + BN - 1) // BN


def _dis_of(dp_ref):
  deg = jnp.sum(dp_ref[...], axis=0) + 1.0
  return lax.rsqrt(deg).reshape(BN, 1)


def _tc1_body(x_ref, w_ref, dp_ref, o_ref):
  dis = _dis_of(dp_ref)
  o_ref[...] = dis * jnp.dot(x_ref[...], w_ref[...],
                             preferred_element_type=jnp.float32)


def _tc2_body(ap_ref, hp_ref, dp_ref, b_ref, w_ref, o_ref):
  dis = _dis_of(dp_ref)
  ssum = ap_ref[0] + ap_ref[1] + hp_ref[...]
  h1 = jnp.maximum(dis * ssum + b_ref[...], 0.0)
  o_ref[...] = dis * jnp.dot(h1, w_ref[...],
                             preferred_element_type=jnp.float32)


def _tc3_body(ap_ref, hp_ref, dp_ref, b_ref, w_ref, bl_ref, o_ref):
  dis = _dis_of(dp_ref)
  h2 = dis * (ap_ref[0] + ap_ref[1] + hp_ref[...]) + b_ref[...]
  o_ref[...] = jnp.dot(h2, w_ref[...],
                       preferred_element_type=jnp.float32) + bl_ref[...]


_row_spec = pl.BlockSpec((BN, D), lambda i: (i, 0))
_ap_spec = pl.BlockSpec((NC, BN, D), lambda i: (0, i, 0))
_dp_spec = pl.BlockSpec((NW, BN), lambda i: (0, i))
_w_spec = pl.BlockSpec((D, D), lambda i: (0, 0))
_b_spec = pl.BlockSpec((1, D), lambda i: (0, 0))
_out_f32 = jax.ShapeDtypeStruct((N, D), jnp.float32)

_tc1 = pl.pallas_call(
    _tc1_body, grid=(_GRID,),
    in_specs=[_row_spec, _w_spec, _dp_spec],
    out_specs=_row_spec, out_shape=_out_f32)

_tc2 = pl.pallas_call(
    _tc2_body, grid=(_GRID,),
    in_specs=[_ap_spec, _row_spec, _dp_spec, _b_spec, _w_spec],
    out_specs=_row_spec, out_shape=_out_f32)

_tc3 = pl.pallas_call(
    _tc3_body, grid=(_GRID,),
    in_specs=[_ap_spec, _row_spec, _dp_spec, _b_spec, _w_spec, _b_spec],
    out_specs=_row_spec, out_shape=_out_f32)


@jax.jit
def kernel(x, edge_index, W1, b1, W2, b2, Wl, bl):
  ei32 = edge_index.astype(jnp.int32)
  ei4 = ei32.reshape(2, NW, NCH, CH)
  src = ei32[0].reshape(NW, EPW)
  b1r = b1.reshape(1, D)
  b2r = b2.reshape(1, D)
  blr = bl.reshape(1, D)

  dp = _deg_kernel(ei4)
  h1p = _tc1(x, W1, dp)
  ap1 = _agg_kernel(h1p, src, ei4)
  h2p = _tc2(ap1, h1p, dp, b1r, W2)
  ap2 = _agg_kernel(h2p, src, ei4)
  out = _tc3(ap2, h2p, dp, b2r, Wl, blr)
  return (out,)

# --- scband reference (transcript-rebuilt; emitter-appended) ---
"""Pipeline reference for scband-gcnmodel-1778116460904 (READ-ONLY COPY).

The authoritative reference and input builder live on the scoring server;
editing this copy changes nothing except your own understanding.
"""

import jax, jax.numpy as jnp
import numpy as np

N_NODES = 10000
N_EDGES = 320000
D_IN = 128
D_HID = 128
D_OUT = 128


def _glorot(key, shape):
    lim = np.sqrt(6.0 / (shape[0] + shape[1]))
    return jax.random.uniform(key, shape, dtype=jnp.float32, minval=-lim, maxval=lim)


def setup_inputs(seed: int = 0) -> dict:
    key = jax.random.key(seed)
    ks = jax.random.split(key, 8)
    x = jax.random.normal(ks[0], (N_NODES, D_IN), dtype=jnp.float32)
    edge_index = jax.random.randint(ks[1], (2, N_EDGES), 0, N_NODES, dtype=jnp.int64)
    W1 = _glorot(ks[2], (D_IN, D_HID))
    b1 = jnp.zeros((D_HID,), dtype=jnp.float32)
    W2 = _glorot(ks[3], (D_HID, D_OUT))
    b2 = jnp.zeros((D_OUT,), dtype=jnp.float32)
    Wl = _glorot(ks[4], (D_OUT, D_OUT))
    bl = jnp.zeros((D_OUT,), dtype=jnp.float32)
    return {"x": x, "edge_index": edge_index, "W1": W1, "b1": b1, "W2": W2, "b2": b2, "Wl": Wl, "bl": bl}


def _gcn_conv(x, edge_index, W, b):
    # Faithful PyG GCNConv: add self-loops, symmetric normalization, scatter-add aggregation.
    N = x.shape[0]
    loop = jnp.arange(N, dtype=edge_index.dtype)
    src = jnp.concatenate([edge_index[0], loop])
    dst = jnp.concatenate([edge_index[1], loop])
    ew = jnp.ones(src.shape[0], dtype=x.dtype)
    deg = jax.ops.segment_sum(ew, dst, num_segments=N)
    deg_inv_sqrt = jnp.where(deg > 0, jax.lax.rsqrt(jnp.maximum(deg, 1e-12)), 0.0)
    norm = deg_inv_sqrt[src] * deg_inv_sqrt[dst]
    h = x @ W
    msg = h[src] * norm[:, None]
    out = jax.ops.segment_sum(msg, dst, num_segments=N)
    return out + b


def reference(x, edge_index, W1, b1, W2, b2, Wl, bl):
    h = _gcn_conv(x, edge_index, W1, b1)
    h = jax.nn.relu(h)
    h = _gcn_conv(h, edge_index, W2, b2)
    out = h @ Wl + bl
    return (out,)

if __name__ == "__main__":
    import jax
    _d = setup_inputs()
    print(jax.jit(kernel)(*tuple(_d.values())))

</pallas_src>

<mosaic_0001>
#map = affine_map<(d0, d1) -> (0, 0)>
#map1 = affine_map<(d0, d1) -> (0, 0, 0, 0)>
#map2 = affine_map<(d0, d1) -> (0, 0, 0)>
module attributes {stable_mosaic.version = 14 : i64} {
  func.func @_agg_kernel(%arg0: i32, %arg1: i32, %arg2: memref<10000x128xf32, #tpu.memory_space<hbm>>, %arg3: memref<32x10000xi32, #tpu.memory_space<hbm>>, %arg4: memref<2x32x125x80xi32, #tpu.memory_space<hbm>>, %arg5: memref<2x10240x128xf32, #tpu.memory_space<hbm>>, %arg6: memref<10000xi32, #tpu.memory_space<vmem>>, %arg7: memref<125x80xi32, #tpu.memory_space<vmem>>, %arg8: memref<80x128xf32, #tpu.memory_space<vmem>>, %arg9: memref<80x128xf32, #tpu.memory_space<vmem>>, %arg10: memref<10240x128xf32, #tpu.memory_space<vmem_shared>>, %arg11: memref<!tpu.dma_semaphore, #tpu.memory_space<semaphore_mem>>, %arg12: memref<!tpu.dma_semaphore, #tpu.memory_space<semaphore_mem>>, %arg13: memref<!tpu.dma_semaphore, #tpu.memory_space<semaphore_mem>>) attributes {dimension_semantics = [#tpu.dimension_semantics<core_parallel>, #tpu.dimension_semantics<subcore_parallel>], iteration_bounds = array<i64: 2, 16>, scalar_prefetch = 0 : i64, scratch_operands = 8 : i64, tpu.core_type = #tpu.core_type<sc_vector_subcore>, window_params = [{transform_indices = #map}, {transform_indices = #map}, {transform_indices = #map1}, {transform_indices = #map2}]} {
    %mul3A = arith.constant 2 : i32
    %mul3A_0 = arith.muli %arg1, %mul3A : i32
    %add3A = arith.addi %mul3A_0, %arg0 : i32
    %broadcast_in_dim3A = arith.constant 0.000000e+00 : f32
    %broadcast_in_dim3A_1 = vector.broadcast %broadcast_in_dim3A : f32 to vector<16xf32>
    %scan3A = arith.constant 0 : i32
    %scan3A_2 = arith.constant 80 : i32
    %scan3A_3 = arith.addi %scan3A, %scan3A_2 : i32
    %scan3A_4 = arith.constant 1 : i32
    scf.for %scan3A_187 = %scan3A to %scan3A_3 step %scan3A_4  : i32 {
      %mul3A_188 = arith.constant 1 : i32
      %mul3A_189 = arith.muli %scan3A_187, %mul3A_188 : i32
      %add3A_190 = arith.constant 0 : i32
      %add3A_191 = arith.addi %add3A_190, %mul3A_189 : i32
      %swap3A = arith.index_cast %add3A_191 : i32 to index
      %swap3A_192 = arith.constant 0 : index
      %swap3A_193 = tpu.vector_load %arg8[%swap3A, %swap3A_192] {strides = array<i32>} : memref<80x128xf32, #tpu.memory_space<vmem>>, vector<1x16xf32>,
      %swap3A_194 = vector.shape_cast %swap3A_193 : vector<1x16xf32> to vector<16xf32>
      %swap3A_195 = vector.shape_cast %broadcast_in_dim3A_1 : vector<16xf32> to vector<1x16xf32>
      tpu.vector_store %arg8[%swap3A, %swap3A_192], %swap3A_195 {strides = array<i32>} : memref<80x128xf32, #tpu.memory_space<vmem>>, vector<1x16xf32>,
      %swap3A_196 = arith.index_cast %add3A_191 : i32 to index
      %swap3A_197 = arith.constant 16 : index
      %swap3A_198 = tpu.vector_load %arg8[%swap3A_196, %swap3A_197] {strides = array<i32>} : memref<80x128xf32, #tpu.memory_space<vmem>>, vector<1x16xf32>,
      %swap3A_199 = vector.shape_cast %swap3A_198 : vector<1x16xf32> to vector<16xf32>
      %swap3A_200 = vector.shape_cast %broadcast_in_dim3A_1 : vector<16xf32> to vector<1x16xf32>
      tpu.vector_store %arg8[%swap3A_196, %swap3A_197], %swap3A_200 {strides = array<i32>} : memref<80x128xf32, #tpu.memory_space<vmem>>, vector<1x16xf32>,
      %swap3A_201 = arith.index_cast %add3A_191 : i32 to index
      %swap3A_202 = arith.constant 32 : index
      %swap3A_203 = tpu.vector_load %arg8[%swap3A_201, %swap3A_202] {strides = array<i32>} : memref<80x128xf32, #tpu.memory_space<vmem>>, vector<1x16xf32>,
      %swap3A_204 = vector.shape_cast %swap3A_203 : vector<1x16xf32> to vector<16xf32>
      %swap3A_205 = vector.shape_cast %broadcast_in_dim3A_1 : vector<16xf32> to vector<1x16xf32>
      tpu.vector_store %arg8[%swap3A_201, %swap3A_202], %swap3A_205 {strides = array<i32>} : memref<80x128xf32, #tpu.memory_space<vmem>>, vector<1x16xf32>,
      %swap3A_206 = arith.index_cast %add3A_191 : i32 to index
      %swap3A_207 = arith.constant 48 : index
      %swap3A_208 = tpu.vector_load %arg8[%swap3A_206, %swap3A_207] {strides = array<i32>} : memref<80x128xf32, #tpu.memory_space<vmem>>, vector<1x16xf32>,
      %swap3A_209 = vector.shape_cast %swap3A_208 : vector<1x16xf32> to vector<16xf32>
      %swap3A_210 = vector.shape_cast %broadcast_in_dim3A_1 : vector<16xf32> to vector<1x16xf32>
      tpu.vector_store %arg8[%swap3A_206, %swap3A_207], %swap3A_210 {strides = array<i32>} : memref<80x128xf32, #tpu.memory_space<vmem>>, vector<1x16xf32>,
      %swap3A_211 = arith.index_cast %add3A_191 : i32 to index
      %swap3A_212 = arith.constant 64 : index
      %swap3A_213 = tpu.vector_load %arg8[%swap3A_211, %swap3A_212] {strides = array<i32>} : memref<80x128xf32, #tpu.memory_space<vmem>>, vector<1x16xf32>,
      %swap3A_214 = vector.shape_cast %swap3A_213 : vector<1x16xf32> to vector<16xf32>
      %swap3A_215 = vector.shape_cast %broadcast_in_dim3A_1 : vector<16xf32> to vector<1x16xf32>
      tpu.vector_store %arg8[%swap3A_211, %swap3A_212], %swap3A_215 {strides = array<i32>} : memref<80x128xf32, #tpu.memory_space<vmem>>, vector<1x16xf32>,
      %swap3A_216 = arith.index_cast %add3A_191 : i32 to index
      %swap3A_217 = arith.constant 80 : index
      %swap3A_218 = tpu.vector_load %arg8[%swap3A_216, %swap3A_217] {strides = array<i32>} : memref<80x128xf32, #tpu.memory_space<vmem>>, vector<1x16xf32>,
      %swap3A_219 = vector.shape_cast %swap3A_218 : vector<1x16xf32> to vector<16xf32>
      %swap3A_220 = vector.shape_cast %broadcast_in_dim3A_1 : vector<16xf32> to vector<1x16xf32>
      tpu.vector_store %arg8[%swap3A_216, %swap3A_217], %swap3A_220 {strides = array<i32>} : memref<80x128xf32, #tpu.memory_space<vmem>>, vector<1x16xf32>,
      %swap3A_221 = arith.index_cast %add3A_191 : i32 to index
      %swap3A_222 = arith.constant 96 : index
      %swap3A_223 = tpu.vector_load %arg8[%swap3A_221, %swap3A_222] {strides = array<i32>} : memref<80x128xf32, #tpu.memory_space<vmem>>, vector<1x16xf32>,
      %swap3A_224 = vector.shape_cast %swap3A_223 : vector<1x16xf32> to vector<16xf32>
      %swap3A_225 = vector.shape_cast %broadcast_in_dim3A_1 : vector<16xf32> to vector<1x16xf32>
      tpu.vector_store %arg8[%swap3A_221, %swap3A_222], %swap3A_225 {strides = array<i32>} : memref<80x128xf32, #tpu.memory_space<vmem>>, vector<1x16xf32>,
      %swap3A_226 = arith.index_cast %add3A_191 : i32 to index
      %swap3A_227 = arith.constant 112 : index
      %swap3A_228 = tpu.vector_load %arg8[%swap3A_226, %swap3A_227] {strides = array<i32>} : memref<80x128xf32, #tpu.memory_space<vmem>>, vector<1x16xf32>,
      %swap3A_229 = vector.shape_cast %swap3A_228 : vector<1x16xf32> to vector<16xf32>
      %swap3A_230 = vector.shape_cast %broadcast_in_dim3A_1 : vector<16xf32> to vector<1x16xf32>
      tpu.vector_store %arg8[%swap3A_226, %swap3A_227], %swap3A_230 {strides = array<i32>} : memref<80x128xf32, #tpu.memory_space<vmem>>, vector<1x16xf32>,
    }
    %scan3A_5 = arith.constant 80 : i32
    %mul3A_6 = arith.constant 640 : i32
    %mul3A_7 = arith.muli %arg1, %mul3A_6 : i32
    %add3A_8 = arith.constant 0 : i32
    %add3A_9 = arith.addi %mul3A_7, %add3A_8 : i32
    %dma_start3A = arith.constant 0 : i32
    %dma_start3A_10 = tpu.memref_slice %arg10[%add3A_9, %dma_start3A] : memref<10240x128xf32, #tpu.memory_space<vmem_shared>> -> memref<80x128xf32, #tpu.memory_space<vmem_shared>>
    %dma_start3A_11 = arith.constant 0 : i32
    %dma_start3A_12 = tpu.memref_slice %arg10[%add3A_9, %dma_start3A_11] : memref<10240x128xf32, #tpu.memory_space<vmem_shared>> -> memref<80x128xf32, #tpu.memory_space<vmem_shared>>
    tpu.enqueue_dma source(%arg8 : memref<80x128xf32, #tpu.memory_space<vmem>>) target(%dma_start3A_12 : memref<80x128xf32, #tpu.memory_space<vmem_shared>>) target_semaphore(%arg13 : memref<!tpu.dma_semaphore, #tpu.memory_space<semaphore_mem>>)
    %mul3A_13 = arith.constant 640 : i32
    %mul3A_14 = arith.muli %arg1, %mul3A_13 : i32
    %add3A_15 = arith.constant 80 : i32
    %add3A_16 = arith.addi %mul3A_14, %add3A_15 : i32
    %dma_start3A_17 = arith.constant 0 : i32
    %dma_start3A_18 = tpu.memref_slice %arg10[%add3A_16, %dma_start3A_17] : memref<10240x128xf32, #tpu.memory_space<vmem_shared>> -> memref<80x128xf32, #tpu.memory_space<vmem_shared>>
    %dma_start3A_19 = arith.constant 0 : i32
    %dma_start3A_20 = tpu.memref_slice %arg10[%add3A_16, %dma_start3A_19] : memref<10240x128xf32, #tpu.memory_space<vmem_shared>> -> memref<80x128xf32, #tpu.memory_space<vmem_shared>>
    tpu.enqueue_dma source(%arg8 : memref<80x128xf32, #tpu.memory_space<vmem>>) target(%dma_start3A_20 : memref<80x128xf32, #tpu.memory_space<vmem_shared>>) target_semaphore(%arg13 : memref<!tpu.dma_semaphore, #tpu.memory_space<semaphore_mem>>)
    %mul3A_21 = arith.constant 640 : i32
    %mul3A_22 = arith.muli %arg1, %mul3A_21 : i32
    %add3A_23 = arith.constant 160 : i32
    %add3A_24 = arith.addi %mul3A_22, %add3A_23 : i32
    %dma_start3A_25 = arith.constant 0 : i32
    %dma_start3A_26 = tpu.memref_slice %arg10[%add3A_24, %dma_start3A_25] : memref<10240x128xf32, #tpu.memory_space<vmem_shared>> -> memref<80x128xf32, #tpu.memory_space<vmem_shared>>
    %dma_start3A_27 = arith.constant 0 : i32
    %dma_start3A_28 = tpu.memref_slice %arg10[%add3A_24, %dma_start3A_27] : memref<10240x128xf32, #tpu.memory_space<vmem_shared>> -> memref<80x128xf32, #tpu.memory_space<vmem_shared>>
    tpu.enqueue_dma source(%arg8 : memref<80x128xf32, #tpu.memory_space<vmem>>) target(%dma_start3A_28 : memref<80x128xf32, #tpu.memory_space<vmem_shared>>) target_semaphore(%arg13 : memref<!tpu.dma_semaphore, #tpu.memory_space<semaphore_mem>>)
    %mul3A_29 = arith.constant 640 : i32
    %mul3A_30 = arith.muli %arg1, %mul3A_29 : i32
    %add3A_31 = arith.constant 240 : i32
    %add3A_32 = arith.addi %mul3A_30, %add3A_31 : i32
    %dma_start3A_33 = arith.constant 0 : i32
    %dma_start3A_34 = tpu.memref_slice %arg10[%add3A_32, %dma_start3A_33] : memref<10240x128xf32, #tpu.memory_space<vmem_shared>> -> memref<80x128xf32, #tpu.memory_space<vmem_shared>>
    %dma_start3A_35 = arith.constant 0 : i32
    %dma_start3A_36 = tpu.memref_slice %arg10[%add3A_32, %dma_start3A_35] : memref<10240x128xf32, #tpu.memory_space<vmem_shared>> -> memref<80x128xf32, #tpu.memory_space<vmem_shared>>
    tpu.enqueue_dma source(%arg8 : memref<80x128xf32, #tpu.memory_space<vmem>>) target(%dma_start3A_36 : memref<80x128xf32, #tpu.memory_space<vmem_shared>>) target_semaphore(%arg13 : memref<!tpu.dma_semaphore, #tpu.memory_space<semaphore_mem>>)
    %mul3A_37 = arith.constant 640 : i32
    %mul3A_38 = arith.muli %arg1, %mul3A_37 : i32
    %add3A_39 = arith.constant 320 : i32
    %add3A_40 = arith.addi %mul3A_38, %add3A_39 : i32
    %dma_start3A_41 = arith.constant 0 : i32
    %dma_start3A_42 = tpu.memref_slice %arg10[%add3A_40, %dma_start3A_41] : memref<10240x128xf32, #tpu.memory_space<vmem_shared>> -> memref<80x128xf32, #tpu.memory_space<vmem_shared>>
    %dma_start3A_43 = arith.constant 0 : i32
    %dma_start3A_44 = tpu.memref_slice %arg10[%add3A_40, %dma_start3A_43] : memref<10240x128xf32, #tpu.memory_space<vmem_shared>> -> memref<80x128xf32, #tpu.memory_space<vmem_shared>>
    tpu.enqueue_dma source(%arg8 : memref<80x128xf32, #tpu.memory_space<vmem>>) target(%dma_start3A_44 : memref<80x128xf32, #tpu.memory_space<vmem_shared>>) target_semaphore(%arg13 : memref<!tpu.dma_semaphore, #tpu.memory_space<semaphore_mem>>)
    %mul3A_45 = arith.constant 640 : i32
    %mul3A_46 = arith.muli %arg1, %mul3A_45 : i32
    %add3A_47 = arith.constant 400 : i32
    %add3A_48 = arith.addi %mul3A_46, %add3A_47 : i32
    %dma_start3A_49 = arith.constant 0 : i32
    %dma_start3A_50 = tpu.memref_slice %arg10[%add3A_48, %dma_start3A_49] : memref<10240x128xf32, #tpu.memory_space<vmem_shared>> -> memref<80x128xf32, #tpu.memory_space<vmem_shared>>
    %dma_start3A_51 = arith.constant 0 : i32
    %dma_start3A_52 = tpu.memref_slice %arg10[%add3A_48, %dma_start3A_51] : memref<10240x128xf32, #tpu.memory_space<vmem_shared>> -> memref<80x128xf32, #tpu.memory_space<vmem_shared>>
    tpu.enqueue_dma source(%arg8 : memref<80x128xf32, #tpu.memory_space<vmem>>) target(%dma_start3A_52 : memref<80x128xf32, #tpu.memory_space<vmem_shared>>) target_semaphore(%arg13 : memref<!tpu.dma_semaphore, #tpu.memory_space<semaphore_mem>>)
    %mul3A_53 = arith.constant 640 : i32
    %mul3A_54 = arith.muli %arg1, %mul3A_53 : i32
    %add3A_55 = arith.constant 480 : i32
    %add3A_56 = arith.addi %mul3A_54, %add3A_55 : i32
    %dma_start3A_57 = arith.constant 0 : i32
    %dma_start3A_58 = tpu.memref_slice %arg10[%add3A_56, %dma_start3A_57] : memref<10240x128xf32, #tpu.memory_space<vmem_shared>> -> memref<80x128xf32, #tpu.memory_space<vmem_shared>>
    %dma_start3A_59 = arith.constant 0 : i32
    %dma_start3A_60 = tpu.memref_slice %arg10[%add3A_56, %dma_start3A_59] : memref<10240x128xf32, #tpu.memory_space<vmem_shared>> -> memref<80x128xf32, #tpu.memory_space<vmem_shared>>
    tpu.enqueue_dma source(%arg8 : memref<80x128xf32, #tpu.memory_space<vmem>>) target(%dma_start3A_60 : memref<80x128xf32, #tpu.memory_space<vmem_shared>>) target_semaphore(%arg13 : memref<!tpu.dma_semaphore, #tpu.memory_space<semaphore_mem>>)
    %mul3A_61 = arith.constant 640 : i32
    %mul3A_62 = arith.muli %arg1, %mul3A_61 : i32
    %add3A_63 = arith.constant 560 : i32
    %add3A_64 = arith.addi %mul3A_62, %add3A_63 : i32
    %dma_start3A_65 = arith.constant 0 : i32
    %dma_start3A_66 = tpu.memref_slice %arg10[%add3A_64, %dma_start3A_65] : memref<10240x128xf32, #tpu.memory_space<vmem_shared>> -> memref<80x128xf32, #tpu.memory_space<vmem_shared>>
    %dma_start3A_67 = arith.constant 0 : i32
    %dma_start3A_68 = tpu.memref_slice %arg10[%add3A_64, %dma_start3A_67] : memref<10240x128xf32, #tpu.memory_space<vmem_shared>> -> memref<80x128xf32, #tpu.memory_space<vmem_shared>>
    tpu.enqueue_dma source(%arg8 : memref<80x128xf32, #tpu.memory_space<vmem>>) target(%dma_start3A_68 : memref<80x128xf32, #tpu.memory_space<vmem_shared>>) target_semaphore(%arg13 : memref<!tpu.dma_semaphore, #tpu.memory_space<semaphore_mem>>)
    %dma_start3A_69 = arith.constant 0 : i32
    %dma_start3A_70 = tpu.memref_slice %arg3[%add3A, %dma_start3A_69] : memref<32x10000xi32, #tpu.memory_space<hbm>> -> memref<1x10000xi32, #tpu.memory_space<hbm>>
    %dma_start3A_71 = tpu.memref_squeeze %dma_start3A_70 : memref<1x10000xi32, #tpu.memory_space<hbm>> -> memref<10000xi32, #tpu.memory_space<hbm>>
    %dma_start3A_72 = arith.constant 0 : i32
    %dma_start3A_73 = tpu.memref_slice %arg3[%add3A, %dma_start3A_72] : memref<32x10000xi32, #tpu.memory_space<hbm>> -> memref<1x10000xi32, #tpu.memory_space<hbm>>
    %dma_start3A_74 = tpu.memref_squeeze %dma_start3A_73 : memref<1x10000xi32, #tpu.memory_space<hbm>> -> memref<10000xi32, #tpu.memory_space<hbm>>
    tpu.enqueue_dma source(%dma_start3A_74 : memref<10000xi32, #tpu.memory_space<hbm>>) target(%arg6 : memref<10000xi32, #tpu.memory_space<vmem>>) target_semaphore(%arg11 : memref<!tpu.dma_semaphore, #tpu.memory_space<semaphore_mem>>)
    %dma_start3A_75 = arith.constant 1 : i32
    %dma_start3A_76 = arith.constant 0 : i32
    %dma_start3A_77 = arith.constant 0 : i32
    %dma_start3A_78 = tpu.memref_slice %arg4[%dma_start3A_75, %add3A, %dma_start3A_76, %dma_start3A_77] : memref<2x32x125x80xi32, #tpu.memory_space<hbm>> -> memref<1x1x125x80xi32, #tpu.memory_space<hbm>>
    %dma_start3A_79 = tpu.memref_squeeze %dma_start3A_78 : memref<1x1x125x80xi32, #tpu.memory_space<hbm>> -> memref<125x80xi32, #tpu.memory_space<hbm>>
    %dma_start3A_80 = arith.constant 0 : i32
    %dma_start3A_81 = arith.constant 0 : i32
    %dma_start3A_82 = tpu.memref_slice %arg4[%dma_start3A_75, %add3A, %dma_start3A_80, %dma_start3A_81] : memref<2x32x125x80xi32, #tpu.memory_space<hbm>> -> memref<1x1x125x80xi32, #tpu.memory_space<hbm>>
    %dma_start3A_83 = tpu.memref_squeeze %dma_start3A_82 : memref<1x1x125x80xi32, #tpu.memory_space<hbm>> -> memref<125x80xi32, #tpu.memory_space<hbm>>
    tpu.enqueue_dma source(%dma_start3A_83 : memref<125x80xi32, #tpu.memory_space<hbm>>) target(%arg7 : memref<125x80xi32, #tpu.memory_space<vmem>>) target_semaphore(%arg12 : memref<!tpu.dma_semaphore, #tpu.memory_space<semaphore_mem>>)
    %dma_wait3A = arith.constant 0 : i32
    %dma_wait3A_84 = tpu.memref_slice %arg3[%add3A, %dma_wait3A] : memref<32x10000xi32, #tpu.memory_space<hbm>> -> memref<1x10000xi32, #tpu.memory_space<hbm>>
    %dma_wait3A_85 = tpu.memref_squeeze %dma_wait3A_84 : memref<1x10000xi32, #tpu.memory_space<hbm>> -> memref<10000xi32, #tpu.memory_space<hbm>>
    %dma_wait3A_86 = arith.constant 0 : i32
    %dma_wait3A_87 = tpu.memref_slice %arg3[%add3A, %dma_wait3A_86] : memref<32x10000xi32, #tpu.memory_space<hbm>> -> memref<1x10000xi32, #tpu.memory_space<hbm>>
    %dma_wait3A_88 = tpu.memref_squeeze %dma_wait3A_87 : memref<1x10000xi32, #tpu.memory_space<hbm>> -> memref<10000xi32, #tpu.memory_space<hbm>>
    tpu.wait_dma2 semaphore(%arg11 : memref<!tpu.dma_semaphore, #tpu.memory_space<semaphore_mem>>) src(%dma_wait3A_88 : memref<10000xi32, #tpu.memory_space<hbm>>) dst(%arg6 : memref<10000xi32, #tpu.memory_space<vmem>>)
    %dma_wait3A_89 = arith.constant 1 : i32
    %dma_wait3A_90 = arith.constant 0 : i32
    %dma_wait3A_91 = arith.constant 0 : i32
    %dma_wait3A_92 = tpu.memref_slice %arg4[%dma_wait3A_89, %add3A, %dma_wait3A_90, %dma_wait3A_91] : memref<2x32x125x80xi32, #tpu.memory_space<hbm>> -> memref<1x1x125x80xi32, #tpu.memory_space<hbm>>
    %dma_wait3A_93 = tpu.memref_squeeze %dma_wait3A_92 : memref<1x1x125x80xi32, #tpu.memory_space<hbm>> -> memref<125x80xi32, #tpu.memory_space<hbm>>
    %dma_wait3A_94 = arith.constant 0 : i32
    %dma_wait3A_95 = arith.constant 0 : i32
    %dma_wait3A_96 = tpu.memref_slice %arg4[%dma_wait3A_89, %add3A, %dma_wait3A_94, %dma_wait3A_95] : memref<2x32x125x80xi32, #tpu.memory_space<hbm>> -> memref<1x1x125x80xi32, #tpu.memory_space<hbm>>
    %dma_wait3A_97 = tpu.memref_squeeze %dma_wait3A_96 : memref<1x1x125x80xi32, #tpu.memory_space<hbm>> -> memref<125x80xi32, #tpu.memory_space<hbm>>
    tpu.wait_dma2 semaphore(%arg12 : memref<!tpu.dma_semaphore, #tpu.memory_space<semaphore_mem>>) src(%dma_wait3A_97 : memref<125x80xi32, #tpu.memory_space<hbm>>) dst(%arg7 : memref<125x80xi32, #tpu.memory_space<vmem>>)
    %mul3A_98 = arith.constant 640 : i32
    %mul3A_99 = arith.muli %arg1, %mul3A_98 : i32
    %add3A_100 = arith.constant 0 : i32
    %add3A_101 = arith.addi %mul3A_99, %add3A_100 : i32
    %dma_wait3A_102 = arith.constant 0 : i32
    %dma_wait3A_103 = tpu.memref_slice %arg10[%add3A_101, %dma_wait3A_102] : memref<10240x128xf32, #tpu.memory_space<vmem_shared>> -> memref<80x128xf32, #tpu.memory_space<vmem_shared>>
    %dma_wait3A_104 = arith.constant 0 : i32
    %dma_wait3A_105 = tpu.memref_slice %arg10[%add3A_101, %dma_wait3A_104] : memref<10240x128xf32, #tpu.memory_space<vmem_shared>> -> memref<80x128xf32, #tpu.memory_space<vmem_shared>>
    tpu.wait_dma2 semaphore(%arg13 : memref<!tpu.dma_semaphore, #tpu.memory_space<semaphore_mem>>) src(%arg8 : memref<80x128xf32, #tpu.memory_space<vmem>>) dst(%dma_wait3A_105 : memref<80x128xf32, #tpu.memory_space<vmem_shared>>)
    %mul3A_106 = arith.constant 640 : i32
    %mul3A_107 = arith.muli %arg1, %mul3A_106 : i32
    %add3A_108 = arith.constant 80 : i32
    %add3A_109 = arith.addi %mul3A_107, %add3A_108 : i32
    %dma_wait3A_110 = arith.constant 0 : i32
    %dma_wait3A_111 = tpu.memref_slice %arg10[%add3A_109, %dma_wait3A_110] : memref<10240x128xf32, #tpu.memory_space<vmem_shared>> -> memref<80x128xf32, #tpu.memory_space<vmem_shared>>
    %dma_wait3A_112 = arith.constant 0 : i32
    %dma_wait3A_113 = tpu.memref_slice %arg10[%add3A_109, %dma_wait3A_112] : memref<10240x128xf32, #tpu.memory_space<vmem_shared>> -> memref<80x128xf32, #tpu.memory_space<vmem_shared>>
    tpu.wait_dma2 semaphore(%arg13 : memref<!tpu.dma_semaphore, #tpu.memory_space<semaphore_mem>>) src(%arg8 : memref<80x128xf32, #tpu.memory_space<vmem>>) dst(%dma_wait3A_113 : memref<80x128xf32, #tpu.memory_space<vmem_shared>>)
    %mul3A_114 = arith.constant 640 : i32
    %mul3A_115 = arith.muli %arg1, %mul3A_114 : i32
    %add3A_116 = arith.constant 160 : i32
    %add3A_117 = arith.addi %mul3A_115, %add3A_116 : i32
    %dma_wait3A_118 = arith.constant 0 : i32
    %dma_wait3A_119 = tpu.memref_slice %arg10[%add3A_117, %dma_wait3A_118] : memref<10240x128xf32, #tpu.memory_space<vmem_shared>> -> memref<80x128xf32, #tpu.memory_space<vmem_shared>>
    %dma_wait3A_120 = arith.constant 0 : i32
    %dma_wait3A_121 = tpu.memref_slice %arg10[%add3A_117, %dma_wait3A_120] : memref<10240x128xf32, #tpu.memory_space<vmem_shared>> -> memref<80x128xf32, #tpu.memory_space<vmem_shared>>
    tpu.wait_dma2 semaphore(%arg13 : memref<!tpu.dma_semaphore, #tpu.memory_space<semaphore_mem>>) src(%arg8 : memref<80x128xf32, #tpu.memory_space<vmem>>) dst(%dma_wait3A_121 : memref<80x128xf32, #tpu.memory_space<vmem_shared>>)
    %mul3A_122 = arith.constant 640 : i32
    %mul3A_123 = arith.muli %arg1, %mul3A_122 : i32
    %add3A_124 = arith.constant 240 : i32
    %add3A_125 = arith.addi %mul3A_123, %add3A_124 : i32
    %dma_wait3A_126 = arith.constant 0 : i32
    %dma_wait3A_127 = tpu.memref_slice %arg10[%add3A_125, %dma_wait3A_126] : memref<10240x128xf32, #tpu.memory_space<vmem_shared>> -> memref<80x128xf32, #tpu.memory_space<vmem_shared>>
    %dma_wait3A_128 = arith.constant 0 : i32
    %dma_wait3A_129 = tpu.memref_slice %arg10[%add3A_125, %dma_wait3A_128] : memref<10240x128xf32, #tpu.memory_space<vmem_shared>> -> memref<80x128xf32, #tpu.memory_space<vmem_shared>>
    tpu.wait_dma2 semaphore(%arg13 : memref<!tpu.dma_semaphore, #tpu.memory_space<semaphore_mem>>) src(%arg8 : memref<80x128xf32, #tpu.memory_space<vmem>>) dst(%dma_wait3A_129 : memref<80x128xf32, #tpu.memory_space<vmem_shared>>)
    %mul3A_130 = arith.constant 640 : i32
    %mul3A_131 = arith.muli %arg1, %mul3A_130 : i32
    %add3A_132 = arith.constant 320 : i32
    %add3A_133 = arith.addi %mul3A_131, %add3A_132 : i32
    %dma_wait3A_134 = arith.constant 0 : i32
    %dma_wait3A_135 = tpu.memref_slice %arg10[%add3A_133, %dma_wait3A_134] : memref<10240x128xf32, #tpu.memory_space<vmem_shared>> -> memref<80x128xf32, #tpu.memory_space<vmem_shared>>
    %dma_wait3A_136 = arith.constant 0 : i32
    %dma_wait3A_137 = tpu.memref_slice %arg10[%add3A_133, %dma_wait3A_136] : memref<10240x128xf32, #tpu.memory_space<vmem_shared>> -> memref<80x128xf32, #tpu.memory_space<vmem_shared>>
    tpu.wait_dma2 semaphore(%arg13 : memref<!tpu.dma_semaphore, #tpu.memory_space<semaphore_mem>>) src(%arg8 : memref<80x128xf32, #tpu.memory_space<vmem>>) dst(%dma_wait3A_137 : memref<80x128xf32, #tpu.memory_space<vmem_shared>>)
    %mul3A_138 = arith.constant 640 : i32
    %mul3A_139 = arith.muli %arg1, %mul3A_138 : i32
    %add3A_140 = arith.constant 400 : i32
    %add3A_141 = arith.addi %mul3A_139, %add3A_140 : i32
    %dma_wait3A_142 = arith.constant 0 : i32
    %dma_wait3A_143 = tpu.memref_slice %arg10[%add3A_141, %dma_wait3A_142] : memref<10240x128xf32, #tpu.memory_space<vmem_shared>> -> memref<80x128xf32, #tpu.memory_space<vmem_shared>>
    %dma_wait3A_144 = arith.constant 0 : i32
    %dma_wait3A_145 = tpu.memref_slice %arg10[%add3A_141, %dma_wait3A_144] : memref<10240x128xf32, #tpu.memory_space<vmem_shared>> -> memref<80x128xf32, #tpu.memory_space<vmem_shared>>
    tpu.wait_dma2 semaphore(%arg13 : memref<!tpu.dma_semaphore, #tpu.memory_space<semaphore_mem>>) src(%arg8 : memref<80x128xf32, #tpu.memory_space<vmem>>) dst(%dma_wait3A_145 : memref<80x128xf32, #tpu.memory_space<vmem_shared>>)
    %mul3A_146 = arith.constant 640 : i32
    %mul3A_147 = arith.muli %arg1, %mul3A_146 : i32
    %add3A_148 = arith.constant 480 : i32
    %add3A_149 = arith.addi %mul3A_147, %add3A_148 : i32
    %dma_wait3A_150 = arith.constant 0 : i32
    %dma_wait3A_151 = tpu.memref_slice %arg10[%add3A_149, %dma_wait3A_150] : memref<10240x128xf32, #tpu.memory_space<vmem_shared>> -> memref<80x128xf32, #tpu.memory_space<vmem_shared>>
    %dma_wait3A_152 = arith.constant 0 : i32
    %dma_wait3A_153 = tpu.memref_slice %arg10[%add3A_149, %dma_wait3A_152] : memref<10240x128xf32, #tpu.memory_space<vmem_shared>> -> memref<80x128xf32, #tpu.memory_space<vmem_shared>>
    tpu.wait_dma2 semaphore(%arg13 : memref<!tpu.dma_semaphore, #tpu.memory_space<semaphore_mem>>) src(%arg8 : memref<80x128xf32, #tpu.memory_space<vmem>>) dst(%dma_wait3A_153 : memref<80x128xf32, #tpu.memory_space<vmem_shared>>)
    %mul3A_154 = arith.constant 640 : i32
    %mul3A_155 = arith.muli %arg1, %mul3A_154 : i32
    %add3A_156 = arith.constant 560 : i32
    %add3A_157 = arith.addi %mul3A_155, %add3A_156 : i32
    %dma_wait3A_158 = arith.constant 0 : i32
    %dma_wait3A_159 = tpu.memref_slice %arg10[%add3A_157, %dma_wait3A_158] : memref<10240x128xf32, #tpu.memory_space<vmem_shared>> -> memref<80x128xf32, #tpu.memory_space<vmem_shared>>
    %dma_wait3A_160 = arith.constant 0 : i32
    %dma_wait3A_161 = tpu.memref_slice %arg10[%add3A_157, %dma_wait3A_160] : memref<10240x128xf32, #tpu.memory_space<vmem_shared>> -> memref<80x128xf32, #tpu.memory_space<vmem_shared>>
    tpu.wait_dma2 semaphore(%arg13 : memref<!tpu.dma_semaphore, #tpu.memory_space<semaphore_mem>>) src(%arg8 : memref<80x128xf32, #tpu.memory_space<vmem>>) dst(%dma_wait3A_161 : memref<80x128xf32, #tpu.memory_space<vmem_shared>>)
    %dma_start3A_162 = arith.constant 0 : i32
    %dma_start3A_163 = tpu.memref_slice %arg6[%dma_start3A_162] : memref<10000xi32, #tpu.memory_space<vmem>> -> memref<80xi32, #tpu.memory_space<vmem>>
    %dma_start3A_164 = arith.constant 0 : i32
    %dma_start3A_165 = arith.constant 0 : i32
    %dma_start3A_166 = tpu.memref_slice %arg2[%dma_start3A_164, %dma_start3A_165] : memref<10000x128xf32, #tpu.memory_space<hbm>> -> memref<10000x128xf32, #tpu.memory_space<hbm>>
    tpu.enqueue_indirect_dma source(%dma_start3A_166 : memref<10000x128xf32, #tpu.memory_space<hbm>>) target(%arg8 : memref<80x128xf32, #tpu.memory_space<vmem>>) offsets(%dma_start3A_163 : memref<80xi32, #tpu.memory_space<vmem>>) semaphore(%arg11 : memref<!tpu.dma_semaphore, #tpu.memory_space<semaphore_mem>>)
    %dma_start3A_167 = arith.constant 80 : i32
    %dma_start3A_168 = tpu.memref_slice %arg6[%dma_start3A_167] : memref<10000xi32, #tpu.memory_space<vmem>> -> memref<80xi32, #tpu.memory_space<vmem>>
    %dma_start3A_169 = arith.constant 0 : i32
    %dma_start3A_170 = arith.constant 0 : i32
    %dma_start3A_171 = tpu.memref_slice %arg2[%dma_start3A_169, %dma_start3A_170] : memref<10000x128xf32, #tpu.memory_space<hbm>> -> memref<10000x128xf32, #tpu.memory_space<hbm>>
    tpu.enqueue_indirect_dma source(%dma_start3A_171 : memref<10000x128xf32, #tpu.memory_space<hbm>>) target(%arg9 : memref<80x128xf32, #tpu.memory_space<vmem>>) offsets(%dma_start3A_168 : memref<80xi32, #tpu.memory_space<vmem>>) semaphore(%arg12 : memref<!tpu.dma_semaphore, #tpu.memory_space<semaphore_mem>>)
    %barrier3A = arith.constant 0 : index
    tpu.barrier barrier_id(%barrier3A)
    %scan3A_172 = arith.constant 0 : i32
    %scan3A_173 = arith.constant 62 : i32
    %scan3A_174 = arith.addi %scan3A_172, %scan3A_173 : i32
    %scan3A_175 = arith.constant 1 : i32
    scf.for %scan3A_187 = %scan3A_172 to %scan3A_174 step %scan3A_175  : i32 {
      %mul3A_188 = arith.constant 2 : i32
      %mul3A_189 = arith.muli %scan3A_187, %mul3A_188 : i32
      %add3A_190 = arith.constant 0 : i32
      %add3A_191 = arith.addi %add3A_190, %mul3A_189 : i32
      %mul3A_192 = arith.constant 80 : i32
      %mul3A_193 = arith.muli %add3A_191, %mul3A_192 : i32
      %dma_wait3A_194 = tpu.memref_slice %arg6[%mul3A_193] : memref<10000xi32, #tpu.memory_space<vmem>> -> memref<80xi32, #tpu.memory_space<vmem>>
      %dma_wait3A_195 = arith.constant 0 : i32
      %dma_wait3A_196 = arith.constant 0 : i32
      %dma_wait3A_197 = tpu.memref_slice %arg2[%dma_wait3A_195, %dma_wait3A_196] : memref<10000x128xf32, #tpu.memory_space<hbm>> -> memref<10000x128xf32, #tpu.memory_space<hbm>>
      tpu.wait_indirect_dma semaphore(%arg11 : memref<!tpu.dma_semaphore, #tpu.memory_space<semaphore_mem>>) src(%dma_wait3A_197 : memref<10000x128xf32, #tpu.memory_space<hbm>>) dst(%arg8 : memref<80x128xf32, #tpu.memory_space<vmem>>)
      "tpu.region"() ({
        %run_scoped3A_220 = tpu.sem_alloc : memref<!tpu.dma_semaphore, #tpu.memory_space<semaphore_mem>>
        %dma_start3A_221 = arith.constant 0 : i32
        %dma_start3A_222 = tpu.memref_slice %arg7[%add3A_191, %dma_start3A_221] : memref<125x80xi32, #tpu.memory_space<vmem>> -> memref<1x80xi32, #tpu.memory_space<vmem>>
        %dma_start3A_223 = tpu.memref_squeeze %dma_start3A_222 : memref<1x80xi32, #tpu.memory_space<vmem>> -> memref<80xi32, #tpu.memory_space<vmem>>
        %dma_start3A_224 = arith.constant 0 : i32
        %dma_start3A_225 = arith.constant 0 : i32
        %dma_start3A_226 = tpu.memref_slice %arg10[%dma_start3A_224, %dma_start3A_225] : memref<10240x128xf32, #tpu.memory_space<vmem_shared>> -> memref<10240x128xf32, #tpu.memory_space<vmem_shared>>
        tpu.enqueue_indirect_dma source(%arg8 : memref<80x128xf32, #tpu.memory_space<vmem>>) target(%dma_start3A_226 : memref<10240x128xf32, #tpu.memory_space<vmem_shared>>) offsets(%dma_start3A_223 : memref<80xi32, #tpu.memory_space<vmem>>) semaphore(%run_scoped3A_220 : memref<!tpu.dma_semaphore, #tpu.memory_space<semaphore_mem>>) {add = true}
        %dma_wait3A_227 = arith.constant 0 : i32
        %dma_wait3A_228 = tpu.memref_slice %arg7[%add3A_191, %dma_wait3A_227] : memref<125x80xi32, #tpu.memory_space<vmem>> -> memref<1x80xi32, #tpu.memory_space<vmem>>
        %dma_wait3A_229 = tpu.memref_squeeze %dma_wait3A_228 : memref<1x80xi32, #tpu.memory_space<vmem>> -> memref<80xi32, #tpu.memory_space<vmem>>
        %dma_wait3A_230 = arith.constant 0 : i32
        %dma_wait3A_231 = arith.constant 0 : i32
        %dma_wait3A_232 = tpu.memref_slice %arg10[%dma_wait3A_230, %dma_wait3A_231] : memref<10240x128xf32, #tpu.memory_space<vmem_shared>> -> memref<10240x128xf32, #tpu.memory_space<vmem_shared>>
        tpu.wait_indirect_dma semaphore(%run_scoped3A_220 : memref<!tpu.dma_semaphore, #tpu.memory_space<semaphore_mem>>) src(%arg8 : memref<80x128xf32, #tpu.memory_space<vmem>>) dst(%dma_wait3A_232 : memref<10240x128xf32, #tpu.memory_space<vmem_shared>>)
        tpu.yield
      }) : () -> ()
      %add3A_198 = arith.constant 2 : i32
      %add3A_199 = arith.addi %add3A_191, %add3A_198 : i32
      %mul3A_200 = arith.constant 80 : i32
      %mul3A_201 = arith.muli %add3A_199, %mul3A_200 : i32
      %dma_start3A_202 = tpu.memref_slice %arg6[%mul3A_201] : memref<10000xi32, #tpu.memory_space<vmem>> -> memref<80xi32, #tpu.memory_space<vmem>>
      %dma_start3A_203 = arith.constant 0 : i32
      %dma_start3A_204 = arith.constant 0 : i32
      %dma_start3A_205 = tpu.memref_slice %arg2[%dma_start3A_203, %dma_start3A_204] : memref<10000x128xf32, #tpu.memory_space<hbm>> -> memref<10000x128xf32, #tpu.memory_space<hbm>>
      tpu.enqueue_indirect_dma source(%dma_start3A_205 : memref<10000x128xf32, #tpu.memory_space<hbm>>) target(%arg8 : memref<80x128xf32, #tpu.memory_space<vmem>>) offsets(%dma_start3A_202 : memref<80xi32, #tpu.memory_space<vmem>>) semaphore(%arg11 : memref<!tpu.dma_semaphore, #tpu.memory_space<semaphore_mem>>)
      %add3A_206 = arith.constant 1 : i32
      %add3A_207 = arith.addi %add3A_191, %add3A_206 : i32
      %mul3A_208 = arith.constant 80 : i32
      %mul3A_209 = arith.muli %add3A_207, %mul3A_208 : i32
      %dma_wait3A_210 = tpu.memref_slice %arg6[%mul3A_209] : memref<10000xi32, #tpu.memory_space<vmem>> -> memref<80xi32, #tpu.memory_space<vmem>>
      %dma_wait3A_211 = arith.constant 0 : i32
      %dma_wait3A_212 = arith.constant 0 : i32
      %dma_wait3A_213 = tpu.memref_slice %arg2[%dma_wait3A_211, %dma_wait3A_212] : memref<10000x128xf32, #tpu.memory_space<hbm>> -> memref<10000x128xf32, #tpu.memory_space<hbm>>
      tpu.wait_indirect_dma semaphore(%arg12 : memref<!tpu.dma_semaphore, #tpu.memory_space<semaphore_mem>>) src(%dma_wait3A_213 : memref<10000x128xf32, #tpu.memory_space<hbm>>) dst(%arg9 : memref<80x128xf32, #tpu.memory_space<vmem>>)
      %add3A_214 = arith.constant 1 : i32
      %add3A_215 = arith.addi %add3A_191, %add3A_214 : i32
      "tpu.region"() ({
        %run_scoped3A_220 = tpu.sem_alloc : memref<!tpu.dma_semaphore, #tpu.memory_space<semaphore_mem>>
        %dma_start3A_221 = arith.constant 0 : i32
        %dma_start3A_222 = tpu.memref_slice %arg7[%add3A_215, %dma_start3A_221] : memref<125x80xi32, #tpu.memory_space<vmem>> -> memref<1x80xi32, #tpu.memory_space<vmem>>
        %dma_start3A_223 = tpu.memref_squeeze %dma_start3A_222 : memref<1x80xi32, #tpu.memory_space<vmem>> -> memref<80xi32, #tpu.memory_space<vmem>>
        %dma_start3A_224 = arith.constant 0 : i32
        %dma_start3A_225 = arith.constant 0 : i32
        %dma_start3A_226 = tpu.memref_slice %arg10[%dma_start3A_224, %dma_start3A_225] : memref<10240x128xf32, #tpu.memory_space<vmem_shared>> -> memref<10240x128xf32, #tpu.memory_space<vmem_shared>>
        tpu.enqueue_indirect_dma source(%arg9 : memref<80x128xf32, #tpu.memory_space<vmem>>) target(%dma_start3A_226 : memref<10240x128xf32, #tpu.memory_space<vmem_shared>>) offsets(%dma_start3A_223 : memref<80xi32, #tpu.memory_space<vmem>>) semaphore(%run_scoped3A_220 : memref<!tpu.dma_semaphore, #tpu.memory_space<semaphore_mem>>) {add = true}
        %dma_wait3A_227 = arith.constant 0 : i32
        %dma_wait3A_228 = tpu.memref_slice %arg7[%add3A_215, %dma_wait3A_227] : memref<125x80xi32, #tpu.memory_space<vmem>> -> memref<1x80xi32, #tpu.memory_space<vmem>>
        %dma_wait3A_229 = tpu.memref_squeeze %dma_wait3A_228 : memref<1x80xi32, #tpu.memory_space<vmem>> -> memref<80xi32, #tpu.memory_space<vmem>>
        %dma_wait3A_230 = arith.constant 0 : i32
        %dma_wait3A_231 = arith.constant 0 : i32
        %dma_wait3A_232 = tpu.memref_slice %arg10[%dma_wait3A_230, %dma_wait3A_231] : memref<10240x128xf32, #tpu.memory_space<vmem_shared>> -> memref<10240x128xf32, #tpu.memory_space<vmem_shared>>
        tpu.wait_indirect_dma semaphore(%run_scoped3A_220 : memref<!tpu.dma_semaphore, #tpu.memory_space<semaphore_mem>>) src(%arg9 : memref<80x128xf32, #tpu.memory_space<vmem>>) dst(%dma_wait3A_232 : memref<10240x128xf32, #tpu.memory_space<vmem_shared>>)
        tpu.yield
      }) : () -> ()
      %add3A_216 = arith.constant 3 : i32
      %add3A_217 = arith.addi %add3A_191, %add3A_216 : i32
      %lt3A = arith.constant 125 : i32
      %lt3A_218 = arith.cmpi slt, %add3A_217, %lt3A : i32
      %convert_element_type3A = arith.extui %lt3A_218 : i1 to i32
      %cond3A = arith.constant 0 : i32
      %cond3A_219 = arith.cmpi ne, %convert_element_type3A, %cond3A : i32
      scf.if %cond3A_219 {
        %add3A_220 = arith.constant 3 : i32
        %add3A_221 = arith.addi %add3A_191, %add3A_220 : i32
        %mul3A_222 = arith.constant 80 : i32
        %mul3A_223 = arith.muli %add3A_221, %mul3A_222 : i32
        %dma_start3A_224 = tpu.memref_slice %arg6[%mul3A_223] : memref<10000xi32, #tpu.memory_space<vmem>> -> memref<80xi32, #tpu.memory_space<vmem>>
        %dma_start3A_225 = arith.constant 0 : i32
        %dma_start3A_226 = arith.constant 0 : i32
        %dma_start3A_227 = tpu.memref_slice %arg2[%dma_start3A_225, %dma_start3A_226] : memref<10000x128xf32, #tpu.memory_space<hbm>> -> memref<10000x128xf32, #tpu.memory_space<hbm>>
        tpu.enqueue_indirect_dma source(%dma_start3A_227 : memref<10000x128xf32, #tpu.memory_space<hbm>>) target(%arg9 : memref<80x128xf32, #tpu.memory_space<vmem>>) offsets(%dma_start3A_224 : memref<80xi32, #tpu.memory_space<vmem>>) semaphore(%arg12 : memref<!tpu.dma_semaphore, #tpu.memory_space<semaphore_mem>>)
      } else {
      }
    }
    %scan3A_176 = arith.constant 62 : i32
    %dma_wait3A_177 = arith.constant 9920 : i32
    %dma_wait3A_178 = tpu.memref_slice %arg6[%dma_wait3A_177] : memref<10000xi32, #tpu.memory_space<vmem>> -> memref<80xi32, #tpu.memory_space<vmem>>
    %dma_wait3A_179 = arith.constant 0 : i32
    %dma_wait3A_180 = arith.constant 0 : i32
    %dma_wait3A_181 = tpu.memref_slice %arg2[%dma_wait3A_179, %dma_wait3A_180] : memref<10000x128xf32, #tpu.memory_space<hbm>> -> memref<10000x128xf32, #tpu.memory_space<hbm>>
    tpu.wait_indirect_dma semaphore(%arg11 : memref<!tpu.dma_semaphore, #tpu.memory_space<semaphore_mem>>) src(%dma_wait3A_181 : memref<10000x128xf32, #tpu.memory_space<hbm>>) dst(%arg8 : memref<80x128xf32, #tpu.memory_space<vmem>>)
    %run_scoped3A = arith.constant 124 : i32
    "tpu.region"() ({
      %run_scoped3A_187 = tpu.sem_alloc : memref<!tpu.dma_semaphore, #tpu.memory_space<semaphore_mem>>
      %dma_start3A_188 = arith.constant 0 : i32
      %dma_start3A_189 = tpu.memref_slice %arg7[%run_scoped3A, %dma_start3A_188] : memref<125x80xi32, #tpu.memory_space<vmem>> -> memref<1x80xi32, #tpu.memory_space<vmem>>
      %dma_start3A_190 = tpu.memref_squeeze %dma_start3A_189 : memref<1x80xi32, #tpu.memory_space<vmem>> -> memref<80xi32, #tpu.memory_space<vmem>>
      %dma_start3A_191 = arith.constant 0 : i32
      %dma_start3A_192 = arith.constant 0 : i32
      %dma_start3A_193 = tpu.memref_slice %arg10[%dma_start3A_191, %dma_start3A_192] : memref<10240x128xf32, #tpu.memory_space<vmem_shared>> -> memref<10240x128xf32, #tpu.memory_space<vmem_shared>>
      tpu.enqueue_indirect_dma source(%arg8 : memref<80x128xf32, #tpu.memory_space<vmem>>) target(%dma_start3A_193 : memref<10240x128xf32, #tpu.memory_space<vmem_shared>>) offsets(%dma_start3A_190 : memref<80xi32, #tpu.memory_space<vmem>>) semaphore(%run_scoped3A_187 : memref<!tpu.dma_semaphore, #tpu.memory_space<semaphore_mem>>) {add = true}
      %dma_wait3A_194 = arith.constant 0 : i32
      %dma_wait3A_195 = tpu.memref_slice %arg7[%run_scoped3A, %dma_wait3A_194] : memref<125x80xi32, #tpu.memory_space<vmem>> -> memref<1x80xi32, #tpu.memory_space<vmem>>
      %dma_wait3A_196 = tpu.memref_squeeze %dma_wait3A_195 : memref<1x80xi32, #tpu.memory_space<vmem>> -> memref<80xi32, #tpu.memory_space<vmem>>
      %dma_wait3A_197 = arith.constant 0 : i32
      %dma_wait3A_198 = arith.constant 0 : i32
      %dma_wait3A_199 = tpu.memref_slice %arg10[%dma_wait3A_197, %dma_wait3A_198] : memref<10240x128xf32, #tpu.memory_space<vmem_shared>> -> memref<10240x128xf32, #tpu.memory_space<vmem_shared>>
      tpu.wait_indirect_dma semaphore(%run_scoped3A_187 : memref<!tpu.dma_semaphore, #tpu.memory_space<semaphore_mem>>) src(%arg8 : memref<80x128xf32, #tpu.memory_space<vmem>>) dst(%dma_wait3A_199 : memref<10240x128xf32, #tpu.memory_space<vmem_shared>>)
      tpu.yield
    }) : () -> ()
    %barrier3A_182 = arith.constant 0 : index
    tpu.barrier barrier_id(%barrier3A_182)
    %mul3A_183 = arith.constant 640 : i32
    %mul3A_184 = arith.muli %arg1, %mul3A_183 : i32
    %mul3A_185 = arith.constant 640 : i32
    %mul3A_186 = arith.muli %arg1, %mul3A_185 : i32
    "tpu.region"() ({
      %run_scoped3A_187 = tpu.sem_alloc : memref<!tpu.dma_semaphore, #tpu.memory_space<semaphore_mem>>
      %dma_start3A_188 = arith.constant 0 : i32
      %dma_start3A_189 = tpu.memref_slice %arg5[%arg0, %mul3A_186, %dma_start3A_188] : memref<2x10240x128xf32, #tpu.memory_space<hbm>> -> memref<1x640x128xf32, #tpu.memory_space<hbm>>
      %dma_start3A_190 = tpu.memref_squeeze %dma_start3A_189 : memref<1x640x128xf32, #tpu.memory_space<hbm>> -> memref<640x128xf32, #tpu.memory_space<hbm>>
      %dma_start3A_191 = arith.constant 0 : i32
      %dma_start3A_192 = tpu.memref_slice %arg10[%mul3A_184, %dma_start3A_191] : memref<10240x128xf32, #tpu.memory_space<vmem_shared>> -> memref<640x128xf32, #tpu.memory_space<vmem_shared>>
      tpu.enqueue_dma source(%dma_start3A_192 : memref<640x128xf32, #tpu.memory_space<vmem_shared>>) target(%dma_start3A_190 : memref<640x128xf32, #tpu.memory_space<hbm>>) target_semaphore(%run_scoped3A_187 : memref<!tpu.dma_semaphore, #tpu.memory_space<semaphore_mem>>)
      %dma_wait3A_193 = arith.constant 0 : i32
      %dma_wait3A_194 = tpu.memref_slice %arg5[%arg0, %mul3A_186, %dma_wait3A_193] : memref<2x10240x128xf32, #tpu.memory_space<hbm>> -> memref<1x640x128xf32, #tpu.memory_space<hbm>>
      %dma_wait3A_195 = tpu.memref_squeeze %dma_wait3A_194 : memref<1x640x128xf32, #tpu.memory_space<hbm>> -> memref<640x128xf32, #tpu.memory_space<hbm>>
      %dma_wait3A_196 = arith.constant 0 : i32
      %dma_wait3A_197 = tpu.memref_slice %arg10[%mul3A_184, %dma_wait3A_196] : memref<10240x128xf32, #tpu.memory_space<vmem_shared>> -> memref<640x128xf32, #tpu.memory_space<vmem_shared>>
      tpu.wait_dma2 semaphore(%run_scoped3A_187 : memref<!tpu.dma_semaphore, #tpu.memory_space<semaphore_mem>>) src(%dma_wait3A_197 : memref<640x128xf32, #tpu.memory_space<vmem_shared>>) dst(%dma_wait3A_195 : memref<640x128xf32, #tpu.memory_space<hbm>>)
      tpu.yield
    }) : () -> ()
    return
  }
}

#map = affine_map<(d0, d1) -> (0, 0)>
#map1 = affine_map<(d0, d1) -> (0, 0, 0, 0)>
#map2 = affine_map<(d0, d1) -> (0, 0, 0)>
module attributes {stable_mosaic.version = 14 : i64} {
  func.func @_agg_kernel(%arg0: i32, %arg1: i32, %arg2: memref<10000x128xf32, #tpu.memory_space<hbm>>, %arg3: memref<32x10000xi32, #tpu.memory_space<hbm>>, %arg4: memref<2x32x125x80xi32, #tpu.memory_space<hbm>>, %arg5: memref<2x10240x128xf32, #tpu.memory_space<hbm>>, %arg6: memref<10000xi32, #tpu.memory_space<vmem>>, %arg7: memref<125x80xi32, #tpu.memory_space<vmem>>, %arg8: memref<80x128xf32, #tpu.memory_space<vmem>>, %arg9: memref<80x128xf32, #tpu.memory_space<vmem>>, %arg10: memref<10240x128xf32, #tpu.memory_space<vmem_shared>>, %arg11: memref<!tpu.dma_semaphore, #tpu.memory_space<semaphore_mem>>, %arg12: memref<!tpu.dma_semaphore, #tpu.memory_space<semaphore_mem>>, %arg13: memref<!tpu.dma_semaphore, #tpu.memory_space<semaphore_mem>>) attributes {dimension_semantics = [#tpu.dimension_semantics<core_parallel>, #tpu.dimension_semantics<subcore_parallel>], iteration_bounds = array<i64: 2, 16>, scalar_prefetch = 0 : i64, scratch_operands = 8 : i64, tpu.core_type = #tpu.core_type<sc_vector_subcore>, window_params = [{transform_indices = #map}, {transform_indices = #map}, {transform_indices = #map1}, {transform_indices = #map2}]} {
    %mul3A = arith.constant 2 : i32
    %mul3A_0 = arith.muli %arg1, %mul3A : i32
    %add3A = arith.addi %mul3A_0, %arg0 : i32
    %broadcast_in_dim3A = arith.constant 0.000000e+00 : f32
    %broadcast_in_dim3A_1 = vector.broadcast %broadcast_in_dim3A : f32 to vector<16xf32>
    %scan3A = arith.constant 0 : i32
    %scan3A_2 = arith.constant 80 : i32
    %scan3A_3 = arith.addi %scan3A, %scan3A_2 : i32
    %scan3A_4 = arith.constant 1 : i32
    scf.for %scan3A_187 = %scan3A to %scan3A_3 step %scan3A_4  : i32 {
      %mul3A_188 = arith.constant 1 : i32
      %mul3A_189 = arith.muli %scan3A_187, %mul3A_188 : i32
      %add3A_190 = arith.constant 0 : i32
      %add3A_191 = arith.addi %add3A_190, %mul3A_189 : i32
      %swap3A = arith.index_cast %add3A_191 : i32 to index
      %swap3A_192 = arith.constant 0 : index
      %swap3A_193 = tpu.vector_load %arg8[%swap3A, %swap3A_192] {strides = array<i32>} : memref<80x128xf32, #tpu.memory_space<vmem>>, vector<1x16xf32>,
      %swap3A_194 = vector.shape_cast %swap3A_193 : vector<1x16xf32> to vector<16xf32>
      %swap3A_195 = vector.shape_cast %broadcast_in_dim3A_1 : vector<16xf32> to vector<1x16xf32>
      tpu.vector_store %arg8[%swap3A, %swap3A_192], %swap3A_195 {strides = array<i32>} : memref<80x128xf32, #tpu.memory_space<vmem>>, vector<1x16xf32>,
      %swap3A_196 = arith.index_cast %add3A_191 : i32 to index
      %swap3A_197 = arith.constant 16 : index
      %swap3A_198 = tpu.vector_load %arg8[%swap3A_196, %swap3A_197] {strides = array<i32>} : memref<80x128xf32, #tpu.memory_space<vmem>>, vector<1x16xf32>,
      %swap3A_199 = vector.shape_cast %swap3A_198 : vector<1x16xf32> to vector<16xf32>
      %swap3A_200 = vector.shape_cast %broadcast_in_dim3A_1 : vector<16xf32> to vector<1x16xf32>
      tpu.vector_store %arg8[%swap3A_196, %swap3A_197], %swap3A_200 {strides = array<i32>} : memref<80x128xf32, #tpu.memory_space<vmem>>, vector<1x16xf32>,
      %swap3A_201 = arith.index_cast %add3A_191 : i32 to index
      %swap3A_202 = arith.constant 32 : index
      %swap3A_203 = tpu.vector_load %arg8[%swap3A_201, %swap3A_202] {strides = array<i32>} : memref<80x128xf32, #tpu.memory_space<vmem>>, vector<1x16xf32>,
      %swap3A_204 = vector.shape_cast %swap3A_203 : vector<1x16xf32> to vector<16xf32>
      %swap3A_205 = vector.shape_cast %broadcast_in_dim3A_1 : vector<16xf32> to vector<1x16xf32>
      tpu.vector_store %arg8[%swap3A_201, %swap3A_202], %swap3A_205 {strides = array<i32>} : memref<80x128xf32, #tpu.memory_space<vmem>>, vector<1x16xf32>,
      %swap3A_206 = arith.index_cast %add3A_191 : i32 to index
      %swap3A_207 = arith.constant 48 : index
      %swap3A_208 = tpu.vector_load %arg8[%swap3A_206, %swap3A_207] {strides = array<i32>} : memref<80x128xf32, #tpu.memory_space<vmem>>, vector<1x16xf32>,
      %swap3A_209 = vector.shape_cast %swap3A_208 : vector<1x16xf32> to vector<16xf32>
      %swap3A_210 = vector.shape_cast %broadcast_in_dim3A_1 : vector<16xf32> to vector<1x16xf32>
      tpu.vector_store %arg8[%swap3A_206, %swap3A_207], %swap3A_210 {strides = array<i32>} : memref<80x128xf32, #tpu.memory_space<vmem>>, vector<1x16xf32>,
      %swap3A_211 = arith.index_cast %add3A_191 : i32 to index
      %swap3A_212 = arith.constant 64 : index
      %swap3A_213 = tpu.vector_load %arg8[%swap3A_211, %swap3A_212] {strides = array<i32>} : memref<80x128xf32, #tpu.memory_space<vmem>>, vector<1x16xf32>,
      %swap3A_214 = vector.shape_cast %swap3A_213 : vector<1x16xf32> to vector<16xf32>
      %swap3A_215 = vector.shape_cast %broadcast_in_dim3A_1 : vector<16xf32> to vector<1x16xf32>
      tpu.vector_store %arg8[%swap3A_211, %swap3A_212], %swap3A_215 {strides = array<i32>} : memref<80x128xf32, #tpu.memory_space<vmem>>, vector<1x16xf32>,
      %swap3A_216 = arith.index_cast %add3A_191 : i32 to index
      %swap3A_217 = arith.constant 80 : index
      %swap3A_218 = tpu.vector_load %arg8[%swap3A_216, %swap3A_217] {strides = array<i32>} : memref<80x128xf32, #tpu.memory_space<vmem>>, vector<1x16xf32>,
      %swap3A_219 = vector.shape_cast %swap3A_218 : vector<1x16xf32> to vector<16xf32>
      %swap3A_220 = vector.shape_cast %broadcast_in_dim3A_1 : vector<16xf32> to vector<1x16xf32>
      tpu.vector_store %arg8[%swap3A_216, %swap3A_217], %swap3A_220 {strides = array<i32>} : memref<80x128xf32, #tpu.memory_space<vmem>>, vector<1x16xf32>,
      %swap3A_221 = arith.index_cast %add3A_191 : i32 to index
      %swap3A_222 = arith.constant 96 : index
      %swap3A_223 = tpu.vector_load %arg8[%swap3A_221, %swap3A_222] {strides = array<i32>} : memref<80x128xf32, #tpu.memory_space<vmem>>, vector<1x16xf32>,
      %swap3A_224 = vector.shape_cast %swap3A_223 : vector<1x16xf32> to vector<16xf32>
      %swap3A_225 = vector.shape_cast %broadcast_in_dim3A_1 : vector<16xf32> to vector<1x16xf32>
      tpu.vector_store %arg8[%swap3A_221, %swap3A_222], %swap3A_225 {strides = array<i32>} : memref<80x128xf32, #tpu.memory_space<vmem>>, vector<1x16xf32>,
      %swap3A_226 = arith.index_cast %add3A_191 : i32 to index
      %swap3A_227 = arith.constant 112 : index
      %swap3A_228 = tpu.vector_load %arg8[%swap3A_226, %swap3A_227] {strides = array<i32>} : memref<80x128xf32, #tpu.memory_space<vmem>>, vector<1x16xf32>,
      %swap3A_229 = vector.shape_cast %swap3A_228 : vector<1x16xf32> to vector<16xf32>
      %swap3A_230 = vector.shape_cast %broadcast_in_dim3A_1 : vector<16xf32> to vector<1x16xf32>
      tpu.vector_store %arg8[%swap3A_226, %swap3A_227], %swap3A_230 {strides = array<i32>} : memref<80x128xf32, #tpu.memory_space<vmem>>, vector<1x16xf32>,
    }
    %scan3A_5 = arith.constant 80 : i32
    %mul3A_6 = arith.constant 640 : i32
    %mul3A_7 = arith.muli %arg1, %mul3A_6 : i32
    %add3A_8 = arith.constant 0 : i32
    %add3A_9 = arith.addi %mul3A_7, %add3A_8 : i32
    %dma_start3A = arith.constant 0 : i32
    %dma_start3A_10 = tpu.memref_slice %arg10[%add3A_9, %dma_start3A] : memref<10240x128xf32, #tpu.memory_space<vmem_shared>> -> memref<80x128xf32, #tpu.memory_space<vmem_shared>>
    %dma_start3A_11 = arith.constant 0 : i32
    %dma_start3A_12 = tpu.memref_slice %arg10[%add3A_9, %dma_start3A_11] : memref<10240x128xf32, #tpu.memory_space<vmem_shared>> -> memref<80x128xf32, #tpu.memory_space<vmem_shared>>
    tpu.enqueue_dma source(%arg8 : memref<80x128xf32, #tpu.memory_space<vmem>>) target(%dma_start3A_12 : memref<80x128xf32, #tpu.memory_space<vmem_shared>>) target_semaphore(%arg13 : memref<!tpu.dma_semaphore, #tpu.memory_space<semaphore_mem>>)
    %mul3A_13 = arith.constant 640 : i32
    %mul3A_14 = arith.muli %arg1, %mul3A_13 : i32
    %add3A_15 = arith.constant 80 : i32
    %add3A_16 = arith.addi %mul3A_14, %add3A_15 : i32
    %dma_start3A_17 = arith.constant 0 : i32
    %dma_start3A_18 = tpu.memref_slice %arg10[%add3A_16, %dma_start3A_17] : memref<10240x128xf32, #tpu.memory_space<vmem_shared>> -> memref<80x128xf32, #tpu.memory_space<vmem_shared>>
    %dma_start3A_19 = arith.constant 0 : i32
    %dma_start3A_20 = tpu.memref_slice %arg10[%add3A_16, %dma_start3A_19] : memref<10240x128xf32, #tpu.memory_space<vmem_shared>> -> memref<80x128xf32, #tpu.memory_space<vmem_shared>>
    tpu.enqueue_dma source(%arg8 : memref<80x128xf32, #tpu.memory_space<vmem>>) target(%dma_start3A_20 : memref<80x128xf32, #tpu.memory_space<vmem_shared>>) target_semaphore(%arg13 : memref<!tpu.dma_semaphore, #tpu.memory_space<semaphore_mem>>)
    %mul3A_21 = arith.constant 640 : i32
    %mul3A_22 = arith.muli %arg1, %mul3A_21 : i32
    %add3A_23 = arith.constant 160 : i32
    %add3A_24 = arith.addi %mul3A_22, %add3A_23 : i32
    %dma_start3A_25 = arith.constant 0 : i32
    %dma_start3A_26 = tpu.memref_slice %arg10[%add3A_24, %dma_start3A_25] : memref<10240x128xf32, #tpu.memory_space<vmem_shared>> -> memref<80x128xf32, #tpu.memory_space<vmem_shared>>
    %dma_start3A_27 = arith.constant 0 : i32
    %dma_start3A_28 = tpu.memref_slice %arg10[%add3A_24, %dma_start3A_27] : memref<10240x128xf32, #tpu.memory_space<vmem_shared>> -> memref<80x128xf32, #tpu.memory_space<vmem_shared>>
    tpu.enqueue_dma source(%arg8 : memref<80x128xf32, #tpu.memory_space<vmem>>) target(%dma_start3A_28 : memref<80x128xf32, #tpu.memory_space<vmem_shared>>) target_semaphore(%arg13 : memref<!tpu.dma_semaphore, #tpu.memory_space<semaphore_mem>>)
    %mul3A_29 = arith.constant 640 : i32
    %mul3A_30 = arith.muli %arg1, %mul3A_29 : i32
    %add3A_31 = arith.constant 240 : i32
    %add3A_32 = arith.addi %mul3A_30, %add3A_31 : i32
    %dma_start3A_33 = arith.constant 0 : i32
    %dma_start3A_34 = tpu.memref_slice %arg10[%add3A_32, %dma_start3A_33] : memref<10240x128xf32, #tpu.memory_space<vmem_shared>> -> memref<80x128xf32, #tpu.memory_space<vmem_shared>>
    %dma_start3A_35 = arith.constant 0 : i32
    %dma_start3A_36 = tpu.memref_slice %arg10[%add3A_32, %dma_start3A_35] : memref<10240x128xf32, #tpu.memory_space<vmem_shared>> -> memref<80x128xf32, #tpu.memory_space<vmem_shared>>
    tpu.enqueue_dma source(%arg8 : memref<80x128xf32, #tpu.memory_space<vmem>>) target(%dma_start3A_36 : memref<80x128xf32, #tpu.memory_space<vmem_shared>>) target_semaphore(%arg13 : memref<!tpu.dma_semaphore, #tpu.memory_space<semaphore_mem>>)
    %mul3A_37 = arith.constant 640 : i32
    %mul3A_38 = arith.muli %arg1, %mul3A_37 : i32
    %add3A_39 = arith.constant 320 : i32
    %add3A_40 = arith.addi %mul3A_38, %add3A_39 : i32
    %dma_start3A_41 = arith.constant 0 : i32
    %dma_start3A_42 = tpu.memref_slice %arg10[%add3A_40, %dma_start3A_41] : memref<10240x128xf32, #tpu.memory_space<vmem_shared>> -> memref<80x128xf32, #tpu.memory_space<vmem_shared>>
    %dma_start3A_43 = arith.constant 0 : i32
    %dma_start3A_44 = tpu.memref_slice %arg10[%add3A_40, %dma_start3A_43] : memref<10240x128xf32, #tpu.memory_space<vmem_shared>> -> memref<80x128xf32, #tpu.memory_space<vmem_shared>>
    tpu.enqueue_dma source(%arg8 : memref<80x128xf32, #tpu.memory_space<vmem>>) target(%dma_start3A_44 : memref<80x128xf32, #tpu.memory_space<vmem_shared>>) target_semaphore(%arg13 : memref<!tpu.dma_semaphore, #tpu.memory_space<semaphore_mem>>)
    %mul3A_45 = arith.constant 640 : i32
    %mul3A_46 = arith.muli %arg1, %mul3A_45 : i32
    %add3A_47 = arith.constant 400 : i32
    %add3A_48 = arith.addi %mul3A_46, %add3A_47 : i32
    %dma_start3A_49 = arith.constant 0 : i32
    %dma_start3A_50 = tpu.memref_slice %arg10[%add3A_48, %dma_start3A_49] : memref<10240x128xf32, #tpu.memory_space<vmem_shared>> -> memref<80x128xf32, #tpu.memory_space<vmem_shared>>
    %dma_start3A_51 = arith.constant 0 : i32
    %dma_start3A_52 = tpu.memref_slice %arg10[%add3A_48, %dma_start3A_51] : memref<10240x128xf32, #tpu.memory_space<vmem_shared>> -> memref<80x128xf32, #tpu.memory_space<vmem_shared>>
    tpu.enqueue_dma source(%arg8 : memref<80x128xf32, #tpu.memory_space<vmem>>) target(%dma_start3A_52 : memref<80x128xf32, #tpu.memory_space<vmem_shared>>) target_semaphore(%arg13 : memref<!tpu.dma_semaphore, #tpu.memory_space<semaphore_mem>>)
    %mul3A_53 = arith.constant 640 : i32
    %mul3A_54 = arith.muli %arg1, %mul3A_53 : i32
    %add3A_55 = arith.constant 480 : i32
    %add3A_56 = arith.addi %mul3A_54, %add3A_55 : i32
    %dma_start3A_57 = arith.constant 0 : i32
    %dma_start3A_58 = tpu.memref_slice %arg10[%add3A_56, %dma_start3A_57] : memref<10240x128xf32, #tpu.memory_space<vmem_shared>> -> memref<80x128xf32, #tpu.memory_space<vmem_shared>>
    %dma_start3A_59 = arith.constant 0 : i32
    %dma_start3A_60 = tpu.memref_slice %arg10[%add3A_56, %dma_start3A_59] : memref<10240x128xf32, #tpu.memory_space<vmem_shared>> -> memref<80x128xf32, #tpu.memory_space<vmem_shared>>
    tpu.enqueue_dma source(%arg8 : memref<80x128xf32, #tpu.memory_space<vmem>>) target(%dma_start3A_60 : memref<80x128xf32, #tpu.memory_space<vmem_shared>>) target_semaphore(%arg13 : memref<!tpu.dma_semaphore, #tpu.memory_space<semaphore_mem>>)
    %mul3A_61 = arith.constant 640 : i32
    %mul3A_62 = arith.muli %arg1, %mul3A_61 : i32
    %add3A_63 = arith.constant 560 : i32
    %add3A_64 = arith.addi %mul3A_62, %add3A_63 : i32
    %dma_start3A_65 = arith.constant 0 : i32
    %dma_start3A_66 = tpu.memref_slice %arg10[%add3A_64, %dma_start3A_65] : memref<10240x128xf32, #tpu.memory_space<vmem_shared>> -> memref<80x128xf32, #tpu.memory_space<vmem_shared>>
    %dma_start3A_67 = arith.constant 0 : i32
    %dma_start3A_68 = tpu.memref_slice %arg10[%add3A_64, %dma_start3A_67] : memref<10240x128xf32, #tpu.memory_space<vmem_shared>> -> memref<80x128xf32, #tpu.memory_space<vmem_shared>>
    tpu.enqueue_dma source(%arg8 : memref<80x128xf32, #tpu.memory_space<vmem>>) target(%dma_start3A_68 : memref<80x128xf32, #tpu.memory_space<vmem_shared>>) target_semaphore(%arg13 : memref<!tpu.dma_semaphore, #tpu.memory_space<semaphore_mem>>)
    %dma_start3A_69 = arith.constant 0 : i32
    %dma_start3A_70 = tpu.memref_slice %arg3[%add3A, %dma_start3A_69] : memref<32x10000xi32, #tpu.memory_space<hbm>> -> memref<1x10000xi32, #tpu.memory_space<hbm>>
    %dma_start3A_71 = tpu.memref_squeeze %dma_start3A_70 : memref<1x10000xi32, #tpu.memory_space<hbm>> -> memref<10000xi32, #tpu.memory_space<hbm>>
    %dma_start3A_72 = arith.constant 0 : i32
    %dma_start3A_73 = tpu.memref_slice %arg3[%add3A, %dma_start3A_72] : memref<32x10000xi32, #tpu.memory_space<hbm>> -> memref<1x10000xi32, #tpu.memory_space<hbm>>
    %dma_start3A_74 = tpu.memref_squeeze %dma_start3A_73 : memref<1x10000xi32, #tpu.memory_space<hbm>> -> memref<10000xi32, #tpu.memory_space<hbm>>
    tpu.enqueue_dma source(%dma_start3A_74 : memref<10000xi32, #tpu.memory_space<hbm>>) target(%arg6 : memref<10000xi32, #tpu.memory_space<vmem>>) target_semaphore(%arg11 : memref<!tpu.dma_semaphore, #tpu.memory_space<semaphore_mem>>)
    %dma_start3A_75 = arith.constant 1 : i32
    %dma_start3A_76 = arith.constant 0 : i32
    %dma_start3A_77 = arith.constant 0 : i32
    %dma_start3A_78 = tpu.memref_slice %arg4[%dma_start3A_75, %add3A, %dma_start3A_76, %dma_start3A_77] : memref<2x32x125x80xi32, #tpu.memory_space<hbm>> -> memref<1x1x125x80xi32, #tpu.memory_space<hbm>>
    %dma_start3A_79 = tpu.memref_squeeze %dma_start3A_78 : memref<1x1x125x80xi32, #tpu.memory_space<hbm>> -> memref<125x80xi32, #tpu.memory_space<hbm>>
    %dma_start3A_80 = arith.constant 0 : i32
    %dma_start3A_81 = arith.constant 0 : i32
    %dma_start3A_82 = tpu.memref_slice %arg4[%dma_start3A_75, %add3A, %dma_start3A_80, %dma_start3A_81] : memref<2x32x125x80xi32, #tpu.memory_space<hbm>> -> memref<1x1x125x80xi32, #tpu.memory_space<hbm>>
    %dma_start3A_83 = tpu.memref_squeeze %dma_start3A_82 : memref<1x1x125x80xi32, #tpu.memory_space<hbm>> -> memref<125x80xi32, #tpu.memory_space<hbm>>
    tpu.enqueue_dma source(%dma_start3A_83 : memref<125x80xi32, #tpu.memory_space<hbm>>) target(%arg7 : memref<125x80xi32, #tpu.memory_space<vmem>>) target_semaphore(%arg12 : memref<!tpu.dma_semaphore, #tpu.memory_space<semaphore_mem>>)
    %dma_wait3A = arith.constant 0 : i32
    %dma_wait3A_84 = tpu.memref_slice %arg3[%add3A, %dma_wait3A] : memref<32x10000xi32, #tpu.memory_space<hbm>> -> memref<1x10000xi32, #tpu.memory_space<hbm>>
    %dma_wait3A_85 = tpu.memref_squeeze %dma_wait3A_84 : memref<1x10000xi32, #tpu.memory_space<hbm>> -> memref<10000xi32, #tpu.memory_space<hbm>>
    %dma_wait3A_86 = arith.constant 0 : i32
    %dma_wait3A_87 = tpu.memref_slice %arg3[%add3A, %dma_wait3A_86] : memref<32x10000xi32, #tpu.memory_space<hbm>> -> memref<1x10000xi32, #tpu.memory_space<hbm>>
    %dma_wait3A_88 = tpu.memref_squeeze %dma_wait3A_87 : memref<1x10000xi32, #tpu.memory_space<hbm>> -> memref<10000xi32, #tpu.memory_space<hbm>>
    tpu.wait_dma2 semaphore(%arg11 : memref<!tpu.dma_semaphore, #tpu.memory_space<semaphore_mem>>) src(%dma_wait3A_88 : memref<10000xi32, #tpu.memory_space<hbm>>) dst(%arg6 : memref<10000xi32, #tpu.memory_space<vmem>>)
    %dma_wait3A_89 = arith.constant 1 : i32
    %dma_wait3A_90 = arith.constant 0 : i32
    %dma_wait3A_91 = arith.constant 0 : i32
    %dma_wait3A_92 = tpu.memref_slice %arg4[%dma_wait3A_89, %add3A, %dma_wait3A_90, %dma_wait3A_91] : memref<2x32x125x80xi32, #tpu.memory_space<hbm>> -> memref<1x1x125x80xi32, #tpu.memory_space<hbm>>
    %dma_wait3A_93 = tpu.memref_squeeze %dma_wait3A_92 : memref<1x1x125x80xi32, #tpu.memory_space<hbm>> -> memref<125x80xi32, #tpu.memory_space<hbm>>
    %dma_wait3A_94 = arith.constant 0 : i32
    %dma_wait3A_95 = arith.constant 0 : i32
    %dma_wait3A_96 = tpu.memref_slice %arg4[%dma_wait3A_89, %add3A, %dma_wait3A_94, %dma_wait3A_95] : memref<2x32x125x80xi32, #tpu.memory_space<hbm>> -> memref<1x1x125x80xi32, #tpu.memory_space<hbm>>
    %dma_wait3A_97 = tpu.memref_squeeze %dma_wait3A_96 : memref<1x1x125x80xi32, #tpu.memory_space<hbm>> -> memref<125x80xi32, #tpu.memory_space<hbm>>
    tpu.wait_dma2 semaphore(%arg12 : memref<!tpu.dma_semaphore, #tpu.memory_space<semaphore_mem>>) src(%dma_wait3A_97 : memref<125x80xi32, #tpu.memory_space<hbm>>) dst(%arg7 : memref<125x80xi32, #tpu.memory_space<vmem>>)
    %mul3A_98 = arith.constant 640 : i32
    %mul3A_99 = arith.muli %arg1, %mul3A_98 : i32
    %add3A_100 = arith.constant 0 : i32
    %add3A_101 = arith.addi %mul3A_99, %add3A_100 : i32
    %dma_wait3A_102 = arith.constant 0 : i32
    %dma_wait3A_103 = tpu.memref_slice %arg10[%add3A_101, %dma_wait3A_102] : memref<10240x128xf32, #tpu.memory_space<vmem_shared>> -> memref<80x128xf32, #tpu.memory_space<vmem_shared>>
    %dma_wait3A_104 = arith.constant 0 : i32
    %dma_wait3A_105 = tpu.memref_slice %arg10[%add3A_101, %dma_wait3A_104] : memref<10240x128xf32, #tpu.memory_space<vmem_shared>> -> memref<80x128xf32, #tpu.memory_space<vmem_shared>>
    tpu.wait_dma2 semaphore(%arg13 : memref<!tpu.dma_semaphore, #tpu.memory_space<semaphore_mem>>) src(%arg8 : memref<80x128xf32, #tpu.memory_space<vmem>>) dst(%dma_wait3A_105 : memref<80x128xf32, #tpu.memory_space<vmem_shared>>)
    %mul3A_106 = arith.constant 640 : i32
    %mul3A_107 = arith.muli %arg1, %mul3A_106 : i32
    %add3A_108 = arith.constant 80 : i32
    %add3A_109 = arith.addi %mul3A_107, %add3A_108 : i32
    %dma_wait3A_110 = arith.constant 0 : i32
    %dma_wait3A_111 = tpu.memref_slice %arg10[%add3A_109, %dma_wait3A_110] : memref<10240x128xf32, #tpu.memory_space<vmem_shared>> -> memref<80x128xf32, #tpu.memory_space<vmem_shared>>
    %dma_wait3A_112 = arith.constant 0 : i32
    %dma_wait3A_113 = tpu.memref_slice %arg10[%add3A_109, %dma_wait3A_112] : memref<10240x128xf32, #tpu.memory_space<vmem_shared>> -> memref<80x128xf32, #tpu.memory_space<vmem_shared>>
    tpu.wait_dma2 semaphore(%arg13 : memref<!tpu.dma_semaphore, #tpu.memory_space<semaphore_mem>>) src(%arg8 : memref<80x128xf32, #tpu.memory_space<vmem>>) dst(%dma_wait3A_113 : memref<80x128xf32, #tpu.memory_space<vmem_shared>>)
    %mul3A_114 = arith.constant 640 : i32
    %mul3A_115 = arith.muli %arg1, %mul3A_114 : i32
    %add3A_116 = arith.constant 160 : i32
    %add3A_117 = arith.addi %mul3A_115, %add3A_116 : i32
    %dma_wait3A_118 = arith.constant 0 : i32
    %dma_wait3A_119 = tpu.memref_slice %arg10[%add3A_117, %dma_wait3A_118] : memref<10240x128xf32, #tpu.memory_space<vmem_shared>> -> memref<80x128xf32, #tpu.memory_space<vmem_shared>>
    %dma_wait3A_120 = arith.constant 0 : i32
    %dma_wait3A_121 = tpu.memref_slice %arg10[%add3A_117, %dma_wait3A_120] : memref<10240x128xf32, #tpu.memory_space<vmem_shared>> -> memref<80x128xf32, #tpu.memory_space<vmem_shared>>
    tpu.wait_dma2 semaphore(%arg13 : memref<!tpu.dma_semaphore, #tpu.memory_space<semaphore_mem>>) src(%arg8 : memref<80x128xf32, #tpu.memory_space<vmem>>) dst(%dma_wait3A_121 : memref<80x128xf32, #tpu.memory_space<vmem_shared>>)
    %mul3A_122 = arith.constant 640 : i32
    %mul3A_123 = arith.muli %arg1, %mul3A_122 : i32
    %add3A_124 = arith.constant 240 : i32
    %add3A_125 = arith.addi %mul3A_123, %add3A_124 : i32
    %dma_wait3A_126 = arith.constant 0 : i32
    %dma_wait3A_127 = tpu.memref_slice %arg10[%add3A_125, %dma_wait3A_126] : memref<10240x128xf32, #tpu.memory_space<vmem_shared>> -> memref<80x128xf32, #tpu.memory_space<vmem_shared>>
    %dma_wait3A_128 = arith.constant 0 : i32
    %dma_wait3A_129 = tpu.memref_slice %arg10[%add3A_125, %dma_wait3A_128] : memref<10240x128xf32, #tpu.memory_space<vmem_shared>> -> memref<80x128xf32, #tpu.memory_space<vmem_shared>>
    tpu.wait_dma2 semaphore(%arg13 : memref<!tpu.dma_semaphore, #tpu.memory_space<semaphore_mem>>) src(%arg8 : memref<80x128xf32, #tpu.memory_space<vmem>>) dst(%dma_wait3A_129 : memref<80x128xf32, #tpu.memory_space<vmem_shared>>)
    %mul3A_130 = arith.constant 640 : i32
    %mul3A_131 = arith.muli %arg1, %mul3A_130 : i32
    %add3A_132 = arith.constant 320 : i32
    %add3A_133 = arith.addi %mul3A_131, %add3A_132 : i32
    %dma_wait3A_134 = arith.constant 0 : i32
    %dma_wait3A_135 = tpu.memref_slice %arg10[%add3A_133, %dma_wait3A_134] : memref<10240x128xf32, #tpu.memory_space<vmem_shared>> -> memref<80x128xf32, #tpu.memory_space<vmem_shared>>
    %dma_wait3A_136 = arith.constant 0 : i32
    %dma_wait3A_137 = tpu.memref_slice %arg10[%add3A_133, %dma_wait3A_136] : memref<10240x128xf32, #tpu.memory_space<vmem_shared>> -> memref<80x128xf32, #tpu.memory_space<vmem_shared>>
    tpu.wait_dma2 semaphore(%arg13 : memref<!tpu.dma_semaphore, #tpu.memory_space<semaphore_mem>>) src(%arg8 : memref<80x128xf32, #tpu.memory_space<vmem>>) dst(%dma_wait3A_137 : memref<80x128xf32, #tpu.memory_space<vmem_shared>>)
    %mul3A_138 = arith.constant 640 : i32
    %mul3A_139 = arith.muli %arg1, %mul3A_138 : i32
    %add3A_140 = arith.constant 400 : i32
    %add3A_141 = arith.addi %mul3A_139, %add3A_140 : i32
    %dma_wait3A_142 = arith.constant 0 : i32
    %dma_wait3A_143 = tpu.memref_slice %arg10[%add3A_141, %dma_wait3A_142] : memref<10240x128xf32, #tpu.memory_space<vmem_shared>> -> memref<80x128xf32, #tpu.memory_space<vmem_shared>>
    %dma_wait3A_144 = arith.constant 0 : i32
    %dma_wait3A_145 = tpu.memref_slice %arg10[%add3A_141, %dma_wait3A_144] : memref<10240x128xf32, #tpu.memory_space<vmem_shared>> -> memref<80x128xf32, #tpu.memory_space<vmem_shared>>
    tpu.wait_dma2 semaphore(%arg13 : memref<!tpu.dma_semaphore, #tpu.memory_space<semaphore_mem>>) src(%arg8 : memref<80x128xf32, #tpu.memory_space<vmem>>) dst(%dma_wait3A_145 : memref<80x128xf32, #tpu.memory_space<vmem_shared>>)
    %mul3A_146 = arith.constant 640 : i32
    %mul3A_147 = arith.muli %arg1, %mul3A_146 : i32
    %add3A_148 = arith.constant 480 : i32
    %add3A_149 = arith.addi %mul3A_147, %add3A_148 : i32
    %dma_wait3A_150 = arith.constant 0 : i32
    %dma_wait3A_151 = tpu.memref_slice %arg10[%add3A_149, %dma_wait3A_150] : memref<10240x128xf32, #tpu.memory_space<vmem_shared>> -> memref<80x128xf32, #tpu.memory_space<vmem_shared>>
    %dma_wait3A_152 = arith.constant 0 : i32
    %dma_wait3A_153 = tpu.memref_slice %arg10[%add3A_149, %dma_wait3A_152] : memref<10240x128xf32, #tpu.memory_space<vmem_shared>> -> memref<80x128xf32, #tpu.memory_space<vmem_shared>>
    tpu.wait_dma2 semaphore(%arg13 : memref<!tpu.dma_semaphore, #tpu.memory_space<semaphore_mem>>) src(%arg8 : memref<80x128xf32, #tpu.memory_space<vmem>>) dst(%dma_wait3A_153 : memref<80x128xf32, #tpu.memory_space<vmem_shared>>)
    %mul3A_154 = arith.constant 640 : i32
    %mul3A_155 = arith.muli %arg1, %mul3A_154 : i32
    %add3A_156 = arith.constant 560 : i32
    %add3A_157 = arith.addi %mul3A_155, %add3A_156 : i32
    %dma_wait3A_158 = arith.constant 0 : i32
    %dma_wait3A_159 = tpu.memref_slice %arg10[%add3A_157, %dma_wait3A_158] : memref<10240x128xf32, #tpu.memory_space<vmem_shared>> -> memref<80x128xf32, #tpu.memory_space<vmem_shared>>
    %dma_wait3A_160 = arith.constant 0 : i32
    %dma_wait3A_161 = tpu.memref_slice %arg10[%add3A_157, %dma_wait3A_160] : memref<10240x128xf32, #tpu.memory_space<vmem_shared>> -> memref<80x128xf32, #tpu.memory_space<vmem_shared>>
    tpu.wait_dma2 semaphore(%arg13 : memref<!tpu.dma_semaphore, #tpu.memory_space<semaphore_mem>>) src(%arg8 : memref<80x128xf32, #tpu.memory_space<vmem>>) dst(%dma_wait3A_161 : memref<80x128xf32, #tpu.memory_space<vmem_shared>>)
    %dma_start3A_162 = arith.constant 0 : i32
    %dma_start3A_163 = tpu.memref_slice %arg6[%dma_start3A_162] : memref<10000xi32, #tpu.memory_space<vmem>> -> memref<80xi32, #tpu.memory_space<vmem>>
    %dma_start3A_164 = arith.constant 0 : i32
    %dma_start3A_165 = arith.constant 0 : i32
    %dma_start3A_166 = tpu.memref_slice %arg2[%dma_start3A_164, %dma_start3A_165] : memref<10000x128xf32, #tpu.memory_space<hbm>> -> memref<10000x128xf32, #tpu.memory_space<hbm>>
    tpu.enqueue_indirect_dma source(%dma_start3A_166 : memref<10000x128xf32, #tpu.memory_space<hbm>>) target(%arg8 : memref<80x128xf32, #tpu.memory_space<vmem>>) offsets(%dma_start3A_163 : memref<80xi32, #tpu.memory_space<vmem>>) semaphore(%arg11 : memref<!tpu.dma_semaphore, #tpu.memory_space<semaphore_mem>>)
    %dma_start3A_167 = arith.constant 80 : i32
    %dma_start3A_168 = tpu.memref_slice %arg6[%dma_start3A_167] : memref<10000xi32, #tpu.memory_space<vmem>> -> memref<80xi32, #tpu.memory_space<vmem>>
    %dma_start3A_169 = arith.constant 0 : i32
    %dma_start3A_170 = arith.constant 0 : i32
    %dma_start3A_171 = tpu.memref_slice %arg2[%dma_start3A_169, %dma_start3A_170] : memref<10000x128xf32, #tpu.memory_space<hbm>> -> memref<10000x128xf32, #tpu.memory_space<hbm>>
    tpu.enqueue_indirect_dma source(%dma_start3A_171 : memref<10000x128xf32, #tpu.memory_space<hbm>>) target(%arg9 : memref<80x128xf32, #tpu.memory_space<vmem>>) offsets(%dma_start3A_168 : memref<80xi32, #tpu.memory_space<vmem>>) semaphore(%arg12 : memref<!tpu.dma_semaphore, #tpu.memory_space<semaphore_mem>>)
    %barrier3A = arith.constant 0 : index
    tpu.barrier barrier_id(%barrier3A)
    %scan3A_172 = arith.constant 0 : i32
    %scan3A_173 = arith.constant 62 : i32
    %scan3A_174 = arith.addi %scan3A_172, %scan3A_173 : i32
    %scan3A_175 = arith.constant 1 : i32
    scf.for %scan3A_187 = %scan3A_172 to %scan3A_174 step %scan3A_175  : i32 {
      %mul3A_188 = arith.constant 2 : i32
      %mul3A_189 = arith.muli %scan3A_187, %mul3A_188 : i32
      %add3A_190 = arith.constant 0 : i32
      %add3A_191 = arith.addi %add3A_190, %mul3A_189 : i32
      %mul3A_192 = arith.constant 80 : i32
      %mul3A_193 = arith.muli %add3A_191, %mul3A_192 : i32
      %dma_wait3A_194 = tpu.memref_slice %arg6[%mul3A_193] : memref<10000xi32, #tpu.memory_space<vmem>> -> memref<80xi32, #tpu.memory_space<vmem>>
      %dma_wait3A_195 = arith.constant 0 : i32
      %dma_wait3A_196 = arith.constant 0 : i32
      %dma_wait3A_197 = tpu.memref_slice %arg2[%dma_wait3A_195, %dma_wait3A_196] : memref<10000x128xf32, #tpu.memory_space<hbm>> -> memref<10000x128xf32, #tpu.memory_space<hbm>>
      tpu.wait_indirect_dma semaphore(%arg11 : memref<!tpu.dma_semaphore, #tpu.memory_space<semaphore_mem>>) src(%dma_wait3A_197 : memref<10000x128xf32, #tpu.memory_space<hbm>>) dst(%arg8 : memref<80x128xf32, #tpu.memory_space<vmem>>)
      "tpu.region"() ({
        %run_scoped3A_220 = tpu.sem_alloc : memref<!tpu.dma_semaphore, #tpu.memory_space<semaphore_mem>>
        %dma_start3A_221 = arith.constant 0 : i32
        %dma_start3A_222 = tpu.memref_slice %arg7[%add3A_191, %dma_start3A_221] : memref<125x80xi32, #tpu.memory_space<vmem>> -> memref<1x80xi32, #tpu.memory_space<vmem>>
        %dma_start3A_223 = tpu.memref_squeeze %dma_start3A_222 : memref<1x80xi32, #tpu.memory_space<vmem>> -> memref<80xi32, #tpu.memory_space<vmem>>
        %dma_start3A_224 = arith.constant 0 : i32
        %dma_start3A_225 = arith.constant 0 : i32
        %dma_start3A_226 = tpu.memref_slice %arg10[%dma_start3A_224, %dma_start3A_225] : memref<10240x128xf32, #tpu.memory_space<vmem_shared>> -> memref<10240x128xf32, #tpu.memory_space<vmem_shared>>
        tpu.enqueue_indirect_dma source(%arg8 : memref<80x128xf32, #tpu.memory_space<vmem>>) target(%dma_start3A_226 : memref<10240x128xf32, #tpu.memory_space<vmem_shared>>) offsets(%dma_start3A_223 : memref<80xi32, #tpu.memory_space<vmem>>) semaphore(%run_scoped3A_220 : memref<!tpu.dma_semaphore, #tpu.memory_space<semaphore_mem>>) {add = true}
        %dma_wait3A_227 = arith.constant 0 : i32
        %dma_wait3A_228 = tpu.memref_slice %arg7[%add3A_191, %dma_wait3A_227] : memref<125x80xi32, #tpu.memory_space<vmem>> -> memref<1x80xi32, #tpu.memory_space<vmem>>
        %dma_wait3A_229 = tpu.memref_squeeze %dma_wait3A_228 : memref<1x80xi32, #tpu.memory_space<vmem>> -> memref<80xi32, #tpu.memory_space<vmem>>
        %dma_wait3A_230 = arith.constant 0 : i32
        %dma_wait3A_231 = arith.constant 0 : i32
        %dma_wait3A_232 = tpu.memref_slice %arg10[%dma_wait3A_230, %dma_wait3A_231] : memref<10240x128xf32, #tpu.memory_space<vmem_shared>> -> memref<10240x128xf32, #tpu.memory_space<vmem_shared>>
        tpu.wait_indirect_dma semaphore(%run_scoped3A_220 : memref<!tpu.dma_semaphore, #tpu.memory_space<semaphore_mem>>) src(%arg8 : memref<80x128xf32, #tpu.memory_space<vmem>>) dst(%dma_wait3A_232 : memref<10240x128xf32, #tpu.memory_space<vmem_shared>>)
        tpu.yield
      }) : () -> ()
      %add3A_198 = arith.constant 2 : i32
      %add3A_199 = arith.addi %add3A_191, %add3A_198 : i32
      %mul3A_200 = arith.constant 80 : i32
      %mul3A_201 = arith.muli %add3A_199, %mul3A_200 : i32
      %dma_start3A_202 = tpu.memref_slice %arg6[%mul3A_201] : memref<10000xi32, #tpu.memory_space<vmem>> -> memref<80xi32, #tpu.memory_space<vmem>>
      %dma_start3A_203 = arith.constant 0 : i32
      %dma_start3A_204 = arith.constant 0 : i32
      %dma_start3A_205 = tpu.memref_slice %arg2[%dma_start3A_203, %dma_start3A_204] : memref<10000x128xf32, #tpu.memory_space<hbm>> -> memref<10000x128xf32, #tpu.memory_space<hbm>>
      tpu.enqueue_indirect_dma source(%dma_start3A_205 : memref<10000x128xf32, #tpu.memory_space<hbm>>) target(%arg8 : memref<80x128xf32, #tpu.memory_space<vmem>>) offsets(%dma_start3A_202 : memref<80xi32, #tpu.memory_space<vmem>>) semaphore(%arg11 : memref<!tpu.dma_semaphore, #tpu.memory_space<semaphore_mem>>)
      %add3A_206 = arith.constant 1 : i32
      %add3A_207 = arith.addi %add3A_191, %add3A_206 : i32
      %mul3A_208 = arith.constant 80 : i32
      %mul3A_209 = arith.muli %add3A_207, %mul3A_208 : i32
      %dma_wait3A_210 = tpu.memref_slice %arg6[%mul3A_209] : memref<10000xi32, #tpu.memory_space<vmem>> -> memref<80xi32, #tpu.memory_space<vmem>>
      %dma_wait3A_211 = arith.constant 0 : i32
      %dma_wait3A_212 = arith.constant 0 : i32
      %dma_wait3A_213 = tpu.memref_slice %arg2[%dma_wait3A_211, %dma_wait3A_212] : memref<10000x128xf32, #tpu.memory_space<hbm>> -> memref<10000x128xf32, #tpu.memory_space<hbm>>
      tpu.wait_indirect_dma semaphore(%arg12 : memref<!tpu.dma_semaphore, #tpu.memory_space<semaphore_mem>>) src(%dma_wait3A_213 : memref<10000x128xf32, #tpu.memory_space<hbm>>) dst(%arg9 : memref<80x128xf32, #tpu.memory_space<vmem>>)
      %add3A_214 = arith.constant 1 : i32
      %add3A_215 = arith.addi %add3A_191, %add3A_214 : i32
      "tpu.region"() ({
        %run_scoped3A_220 = tpu.sem_alloc : memref<!tpu.dma_semaphore, #tpu.memory_space<semaphore_mem>>
        %dma_start3A_221 = arith.constant 0 : i32
        %dma_start3A_222 = tpu.memref_slice %arg7[%add3A_215, %dma_start3A_221] : memref<125x80xi32, #tpu.memory_space<vmem>> -> memref<1x80xi32, #tpu.memory_space<vmem>>
        %dma_start3A_223 = tpu.memref_squeeze %dma_start3A_222 : memref<1x80xi32, #tpu.memory_space<vmem>> -> memref<80xi32, #tpu.memory_space<vmem>>
        %dma_start3A_224 = arith.constant 0 : i32
        %dma_start3A_225 = arith.constant 0 : i32
        %dma_start3A_226 = tpu.memref_slice %arg10[%dma_start3A_224, %dma_start3A_225] : memref<10240x128xf32, #tpu.memory_space<vmem_shared>> -> memref<10240x128xf32, #tpu.memory_space<vmem_shared>>
        tpu.enqueue_indirect_dma source(%arg9 : memref<80x128xf32, #tpu.memory_space<vmem>>) target(%dma_start3A_226 : memref<10240x128xf32, #tpu.memory_space<vmem_shared>>) offsets(%dma_start3A_223 : memref<80xi32, #tpu.memory_space<vmem>>) semaphore(%run_scoped3A_220 : memref<!tpu.dma_semaphore, #tpu.memory_space<semaphore_mem>>) {add = true}
        %dma_wait3A_227 = arith.constant 0 : i32
        %dma_wait3A_228 = tpu.memref_slice %arg7[%add3A_215, %dma_wait3A_227] : memref<125x80xi32, #tpu.memory_space<vmem>> -> memref<1x80xi32, #tpu.memory_space<vmem>>
        %dma_wait3A_229 = tpu.memref_squeeze %dma_wait3A_228 : memref<1x80xi32, #tpu.memory_space<vmem>> -> memref<80xi32, #tpu.memory_space<vmem>>
        %dma_wait3A_230 = arith.constant 0 : i32
        %dma_wait3A_231 = arith.constant 0 : i32
        %dma_wait3A_232 = tpu.memref_slice %arg10[%dma_wait3A_230, %dma_wait3A_231] : memref<10240x128xf32, #tpu.memory_space<vmem_shared>> -> memref<10240x128xf32, #tpu.memory_space<vmem_shared>>
        tpu.wait_indirect_dma semaphore(%run_scoped3A_220 : memref<!tpu.dma_semaphore, #tpu.memory_space<semaphore_mem>>) src(%arg9 : memref<80x128xf32, #tpu.memory_space<vmem>>) dst(%dma_wait3A_232 : memref<10240x128xf32, #tpu.memory_space<vmem_shared>>)
        tpu.yield
      }) : () -> ()
      %add3A_216 = arith.constant 3 : i32
      %add3A_217 = arith.addi %add3A_191, %add3A_216 : i32
      %lt3A = arith.constant 125 : i32
      %lt3A_218 = arith.cmpi slt, %add3A_217, %lt3A : i32
      %convert_element_type3A = arith.extui %lt3A_218 : i1 to i32
      %cond3A = arith.constant 0 : i32
      %cond3A_219 = arith.cmpi ne, %convert_element_type3A, %cond3A : i32
      scf.if %cond3A_219 {
        %add3A_220 = arith.constant 3 : i32
        %add3A_221 = arith.addi %add3A_191, %add3A_220 : i32
        %mul3A_222 = arith.constant 80 : i32
        %mul3A_223 = arith.muli %add3A_221, %mul3A_222 : i32
        %dma_start3A_224 = tpu.memref_slice %arg6[%mul3A_223] : memref<10000xi32, #tpu.memory_space<vmem>> -> memref<80xi32, #tpu.memory_space<vmem>>
        %dma_start3A_225 = arith.constant 0 : i32
        %dma_start3A_226 = arith.constant 0 : i32
        %dma_start3A_227 = tpu.memref_slice %arg2[%dma_start3A_225, %dma_start3A_226] : memref<10000x128xf32, #tpu.memory_space<hbm>> -> memref<10000x128xf32, #tpu.memory_space<hbm>>
        tpu.enqueue_indirect_dma source(%dma_start3A_227 : memref<10000x128xf32, #tpu.memory_space<hbm>>) target(%arg9 : memref<80x128xf32, #tpu.memory_space<vmem>>) offsets(%dma_start3A_224 : memref<80xi32, #tpu.memory_space<vmem>>) semaphore(%arg12 : memref<!tpu.dma_semaphore, #tpu.memory_space<semaphore_mem>>)
      } else {
      }
    }
    %scan3A_176 = arith.constant 62 : i32
    %dma_wait3A_177 = arith.constant 9920 : i32
    %dma_wait3A_178 = tpu.memref_slice %arg6[%dma_wait3A_177] : memref<10000xi32, #tpu.memory_space<vmem>> -> memref<80xi32, #tpu.memory_space<vmem>>
    %dma_wait3A_179 = arith.constant 0 : i32
    %dma_wait3A_180 = arith.constant 0 : i32
    %dma_wait3A_181 = tpu.memref_slice %arg2[%dma_wait3A_179, %dma_wait3A_180] : memref<10000x128xf32, #tpu.memory_space<hbm>> -> memref<10000x128xf32, #tpu.memory_space<hbm>>
    tpu.wait_indirect_dma semaphore(%arg11 : memref<!tpu.dma_semaphore, #tpu.memory_space<semaphore_mem>>) src(%dma_wait3A_181 : memref<10000x128xf32, #tpu.memory_space<hbm>>) dst(%arg8 : memref<80x128xf32, #tpu.memory_space<vmem>>)
    %run_scoped3A = arith.constant 124 : i32
    "tpu.region"() ({
      %run_scoped3A_187 = tpu.sem_alloc : memref<!tpu.dma_semaphore, #tpu.memory_space<semaphore_mem>>
      %dma_start3A_188 = arith.constant 0 : i32
      %dma_start3A_189 = tpu.memref_slice %arg7[%run_scoped3A, %dma_start3A_188] : memref<125x80xi32, #tpu.memory_space<vmem>> -> memref<1x80xi32, #tpu.memory_space<vmem>>
      %dma_start3A_190 = tpu.memref_squeeze %dma_start3A_189 : memref<1x80xi32, #tpu.memory_space<vmem>> -> memref<80xi32, #tpu.memory_space<vmem>>
      %dma_start3A_191 = arith.constant 0 : i32
      %dma_start3A_192 = arith.constant 0 : i32
      %dma_start3A_193 = tpu.memref_slice %arg10[%dma_start3A_191, %dma_start3A_192] : memref<10240x128xf32, #tpu.memory_space<vmem_shared>> -> memref<10240x128xf32, #tpu.memory_space<vmem_shared>>
      tpu.enqueue_indirect_dma source(%arg8 : memref<80x128xf32, #tpu.memory_space<vmem>>) target(%dma_start3A_193 : memref<10240x128xf32, #tpu.memory_space<vmem_shared>>) offsets(%dma_start3A_190 : memref<80xi32, #tpu.memory_space<vmem>>) semaphore(%run_scoped3A_187 : memref<!tpu.dma_semaphore, #tpu.memory_space<semaphore_mem>>) {add = true}
      %dma_wait3A_194 = arith.constant 0 : i32
      %dma_wait3A_195 = tpu.memref_slice %arg7[%run_scoped3A, %dma_wait3A_194] : memref<125x80xi32, #tpu.memory_space<vmem>> -> memref<1x80xi32, #tpu.memory_space<vmem>>
      %dma_wait3A_196 = tpu.memref_squeeze %dma_wait3A_195 : memref<1x80xi32, #tpu.memory_space<vmem>> -> memref<80xi32, #tpu.memory_space<vmem>>
      %dma_wait3A_197 = arith.constant 0 : i32
      %dma_wait3A_198 = arith.constant 0 : i32
      %dma_wait3A_199 = tpu.memref_slice %arg10[%dma_wait3A_197, %dma_wait3A_198] : memref<10240x128xf32, #tpu.memory_space<vmem_shared>> -> memref<10240x128xf32, #tpu.memory_space<vmem_shared>>
      tpu.wait_indirect_dma semaphore(%run_scoped3A_187 : memref<!tpu.dma_semaphore, #tpu.memory_space<semaphore_mem>>) src(%arg8 : memref<80x128xf32, #tpu.memory_space<vmem>>) dst(%dma_wait3A_199 : memref<10240x128xf32, #tpu.memory_space<vmem_shared>>)
      tpu.yield
    }) : () -> ()
    %barrier3A_182 = arith.constant 0 : index
    tpu.barrier barrier_id(%barrier3A_182)
    %mul3A_183 = arith.constant 640 : i32
    %mul3A_184 = arith.muli %arg1, %mul3A_183 : i32
    %mul3A_185 = arith.constant 640 : i32
    %mul3A_186 = arith.muli %arg1, %mul3A_185 : i32
    "tpu.region"() ({
      %run_scoped3A_187 = tpu.sem_alloc : memref<!tpu.dma_semaphore, #tpu.memory_space<semaphore_mem>>
      %dma_start3A_188 = arith.constant 0 : i32
      %dma_start3A_189 = tpu.memref_slice %arg5[%arg0, %mul3A_186, %dma_start3A_188] : memref<2x10240x128xf32, #tpu.memory_space<hbm>> -> memref<1x640x128xf32, #tpu.memory_space<hbm>>
      %dma_start3A_190 = tpu.memref_squeeze %dma_start3A_189 : memref<1x640x128xf32, #tpu.memory_space<hbm>> -> memref<640x128xf32, #tpu.memory_space<hbm>>
      %dma_start3A_191 = arith.constant 0 : i32
      %dma_start3A_192 = tpu.memref_slice %arg10[%mul3A_184, %dma_start3A_191] : memref<10240x128xf32, #tpu.memory_space<vmem_shared>> -> memref<640x128xf32, #tpu.memory_space<vmem_shared>>
      tpu.enqueue_dma source(%dma_start3A_192 : memref<640x128xf32, #tpu.memory_space<vmem_shared>>) target(%dma_start3A_190 : memref<640x128xf32, #tpu.memory_space<hbm>>) target_semaphore(%run_scoped3A_187 : memref<!tpu.dma_semaphore, #tpu.memory_space<semaphore_mem>>)
      %dma_wait3A_193 = arith.constant 0 : i32
      %dma_wait3A_194 = tpu.memref_slice %arg5[%arg0, %mul3A_186, %dma_wait3A_193] : memref<2x10240x128xf32, #tpu.memory_space<hbm>> -> memref<1x640x128xf32, #tpu.memory_space<hbm>>
      %dma_wait3A_195 = tpu.memref_squeeze %dma_wait3A_194 : memref<1x640x128xf32, #tpu.memory_space<hbm>> -> memref<640x128xf32, #tpu.memory_space<hbm>>
      %dma_wait3A_196 = arith.constant 0 : i32
      %dma_wait3A_197 = tpu.memref_slice %arg10[%mul3A_184, %dma_wait3A_196] : memref<10240x128xf32, #tpu.memory_space<vmem_shared>> -> memref<640x128xf32, #tpu.memory_space<vmem_shared>>
      tpu.wait_dma2 semaphore(%run_scoped3A_187 : memref<!tpu.dma_semaphore, #tpu.memory_space<semaphore_mem>>) src(%dma_wait3A_197 : memref<640x128xf32, #tpu.memory_space<vmem_shared>>) dst(%dma_wait3A_195 : memref<640x128xf32, #tpu.memory_space<hbm>>)
      tpu.yield
    }) : () -> ()
    return
  }
}

#map = affine_map<(d0, d1) -> (0, 0, 0, 0)>
#map1 = affine_map<(d0, d1) -> (0, 0)>
module attributes {stable_mosaic.version = 14 : i64} {
  func.func @_deg_kernel(%arg0: i32, %arg1: i32, %arg2: memref<2x32x125x80xi32, #tpu.memory_space<hbm>>, %arg3: memref<32x10240xf32, #tpu.memory_space<hbm>>, %arg4: memref<125x80xi32, #tpu.memory_space<vmem>>, %arg5: memref<10240xf32, #tpu.memory_space<vmem>>) attributes {dimension_semantics = [#tpu.dimension_semantics<core_parallel>, #tpu.dimension_semantics<subcore_parallel>], iteration_bounds = array<i64: 2, 16>, scalar_prefetch = 0 : i64, scratch_operands = 2 : i64, tpu.core_type = #tpu.core_type<sc_vector_subcore>, window_params = [{transform_indices = #map}, {transform_indices = #map1}]} {
    %mul3A = arith.constant 2 : i32
    %mul3A_0 = arith.muli %arg1, %mul3A : i32
    %add3A = arith.addi %mul3A_0, %arg0 : i32
    %broadcast_in_dim3A = arith.constant 0.000000e+00 : f32
    %broadcast_in_dim3A_1 = vector.broadcast %broadcast_in_dim3A : f32 to vector<16xf32>
    %scan3A = arith.constant 0 : i32
    %scan3A_2 = arith.constant 640 : i32
    %scan3A_3 = arith.addi %scan3A, %scan3A_2 : i32
    %scan3A_4 = arith.constant 8 : i32
    scf.for %scan3A_33 = %scan3A to %scan3A_3 step %scan3A_4  : i32 {
      %mul3A_34 = arith.constant 1 : i32
      %mul3A_35 = arith.muli %scan3A_33, %mul3A_34 : i32
      %add3A_36 = arith.constant 0 : i32
      %add3A_37 = arith.addi %add3A_36, %mul3A_35 : i32
      %mul3A_38 = arith.constant 16 : i32
      %mul3A_39 = arith.muli %add3A_37, %mul3A_38 : i32
      %swap3A = arith.index_cast %mul3A_39 : i32 to index
      %swap3A_40 = tpu.vector_load %arg5[%swap3A] {strides = array<i32>} : memref<10240xf32, #tpu.memory_space<vmem>>, vector<16xf32>,
      tpu.vector_store %arg5[%swap3A], %broadcast_in_dim3A_1 {strides = array<i32>} : memref<10240xf32, #tpu.memory_space<vmem>>, vector<16xf32>,
      %scan3A_41 = arith.constant 1 : i32
      %scan3A_42 = arith.addi %scan3A_33, %scan3A_41 : i32
      %mul3A_43 = arith.constant 1 : i32
      %mul3A_44 = arith.muli %scan3A_42, %mul3A_43 : i32
      %add3A_45 = arith.constant 0 : i32
      %add3A_46 = arith.addi %add3A_45, %mul3A_44 : i32
      %mul3A_47 = arith.constant 16 : i32
      %mul3A_48 = arith.muli %add3A_46, %mul3A_47 : i32
      %swap3A_49 = arith.index_cast %mul3A_48 : i32 to index
      %swap3A_50 = tpu.vector_load %arg5[%swap3A_49] {strides = array<i32>} : memref<10240xf32, #tpu.memory_space<vmem>>, vector<16xf32>,
      tpu.vector_store %arg5[%swap3A_49], %broadcast_in_dim3A_1 {strides = array<i32>} : memref<10240xf32, #tpu.memory_space<vmem>>, vector<16xf32>,
      %scan3A_51 = arith.constant 2 : i32
      %scan3A_52 = arith.addi %scan3A_33, %scan3A_51 : i32
      %mul3A_53 = arith.constant 1 : i32
      %mul3A_54 = arith.muli %scan3A_52, %mul3A_53 : i32
      %add3A_55 = arith.constant 0 : i32
      %add3A_56 = arith.addi %add3A_55, %mul3A_54 : i32
      %mul3A_57 = arith.constant 16 : i32
      %mul3A_58 = arith.muli %add3A_56, %mul3A_57 : i32
      %swap3A_59 = arith.index_cast %mul3A_58 : i32 to index
      %swap3A_60 = tpu.vector_load %arg5[%swap3A_59] {strides = array<i32>} : memref<10240xf32, #tpu.memory_space<vmem>>, vector<16xf32>,
      tpu.vector_store %arg5[%swap3A_59], %broadcast_in_dim3A_1 {strides = array<i32>} : memref<10240xf32, #tpu.memory_space<vmem>>, vector<16xf32>,
      %scan3A_61 = arith.constant 3 : i32
      %scan3A_62 = arith.addi %scan3A_33, %scan3A_61 : i32
      %mul3A_63 = arith.constant 1 : i32
      %mul3A_64 = arith.muli %scan3A_62, %mul3A_63 : i32
      %add3A_65 = arith.constant 0 : i32
      %add3A_66 = arith.addi %add3A_65, %mul3A_64 : i32
      %mul3A_67 = arith.constant 16 : i32
      %mul3A_68 = arith.muli %add3A_66, %mul3A_67 : i32
      %swap3A_69 = arith.index_cast %mul3A_68 : i32 to index
      %swap3A_70 = tpu.vector_load %arg5[%swap3A_69] {strides = array<i32>} : memref<10240xf32, #tpu.memory_space<vmem>>, vector<16xf32>,
      tpu.vector_store %arg5[%swap3A_69], %broadcast_in_dim3A_1 {strides = array<i32>} : memref<10240xf32, #tpu.memory_space<vmem>>, vector<16xf32>,
      %scan3A_71 = arith.constant 4 : i32
      %scan3A_72 = arith.addi %scan3A_33, %scan3A_71 : i32
      %mul3A_73 = arith.constant 1 : i32
      %mul3A_74 = arith.muli %scan3A_72, %mul3A_73 : i32
      %add3A_75 = arith.constant 0 : i32
      %add3A_76 = arith.addi %add3A_75, %mul3A_74 : i32
      %mul3A_77 = arith.constant 16 : i32
      %mul3A_78 = arith.muli %add3A_76, %mul3A_77 : i32
      %swap3A_79 = arith.index_cast %mul3A_78 : i32 to index
      %swap3A_80 = tpu.vector_load %arg5[%swap3A_79] {strides = array<i32>} : memref<10240xf32, #tpu.memory_space<vmem>>, vector<16xf32>,
      tpu.vector_store %arg5[%swap3A_79], %broadcast_in_dim3A_1 {strides = array<i32>} : memref<10240xf32, #tpu.memory_space<vmem>>, vector<16xf32>,
      %scan3A_81 = arith.constant 5 : i32
      %scan3A_82 = arith.addi %scan3A_33, %scan3A_81 : i32
      %mul3A_83 = arith.constant 1 : i32
      %mul3A_84 = arith.muli %scan3A_82, %mul3A_83 : i32
      %add3A_85 = arith.constant 0 : i32
      %add3A_86 = arith.addi %add3A_85, %mul3A_84 : i32
      %mul3A_87 = arith.constant 16 : i32
      %mul3A_88 = arith.muli %add3A_86, %mul3A_87 : i32
      %swap3A_89 = arith.index_cast %mul3A_88 : i32 to index
      %swap3A_90 = tpu.vector_load %arg5[%swap3A_89] {strides = array<i32>} : memref<10240xf32, #tpu.memory_space<vmem>>, vector<16xf32>,
      tpu.vector_store %arg5[%swap3A_89], %broadcast_in_dim3A_1 {strides = array<i32>} : memref<10240xf32, #tpu.memory_space<vmem>>, vector<16xf32>,
      %scan3A_91 = arith.constant 6 : i32
      %scan3A_92 = arith.addi %scan3A_33, %scan3A_91 : i32
      %mul3A_93 = arith.constant 1 : i32
      %mul3A_94 = arith.muli %scan3A_92, %mul3A_93 : i32
      %add3A_95 = arith.constant 0 : i32
      %add3A_96 = arith.addi %add3A_95, %mul3A_94 : i32
      %mul3A_97 = arith.constant 16 : i32
      %mul3A_98 = arith.muli %add3A_96, %mul3A_97 : i32
      %swap3A_99 = arith.index_cast %mul3A_98 : i32 to index
      %swap3A_100 = tpu.vector_load %arg5[%swap3A_99] {strides = array<i32>} : memref<10240xf32, #tpu.memory_space<vmem>>, vector<16xf32>,
      tpu.vector_store %arg5[%swap3A_99], %broadcast_in_dim3A_1 {strides = array<i32>} : memref<10240xf32, #tpu.memory_space<vmem>>, vector<16xf32>,
      %scan3A_101 = arith.constant 7 : i32
      %scan3A_102 = arith.addi %scan3A_33, %scan3A_101 : i32
      %mul3A_103 = arith.constant 1 : i32
      %mul3A_104 = arith.muli %scan3A_102, %mul3A_103 : i32
      %add3A_105 = arith.constant 0 : i32
      %add3A_106 = arith.addi %add3A_105, %mul3A_104 : i32
      %mul3A_107 = arith.constant 16 : i32
      %mul3A_108 = arith.muli %add3A_106, %mul3A_107 : i32
      %swap3A_109 = arith.index_cast %mul3A_108 : i32 to index
      %swap3A_110 = tpu.vector_load %arg5[%swap3A_109] {strides = array<i32>} : memref<10240xf32, #tpu.memory_space<vmem>>, vector<16xf32>,
      tpu.vector_store %arg5[%swap3A_109], %broadcast_in_dim3A_1 {strides = array<i32>} : memref<10240xf32, #tpu.memory_space<vmem>>, vector<16xf32>,
    }
    %scan3A_5 = arith.constant 640 : i32
    %run_scoped3A = arith.constant 1 : i32
    "tpu.region"() ({
      %run_scoped3A_33 = tpu.sem_alloc : memref<!tpu.dma_semaphore, #tpu.memory_space<semaphore_mem>>
      %dma_start3A = arith.constant 0 : i32
      %dma_start3A_34 = arith.constant 0 : i32
      %dma_start3A_35 = tpu.memref_slice %arg2[%run_scoped3A, %add3A, %dma_start3A, %dma_start3A_34] : memref<2x32x125x80xi32, #tpu.memory_space<hbm>> -> memref<1x1x125x80xi32, #tpu.memory_space<hbm>>
      %dma_start3A_36 = tpu.memref_squeeze %dma_start3A_35 : memref<1x1x125x80xi32, #tpu.memory_space<hbm>> -> memref<125x80xi32, #tpu.memory_space<hbm>>
      %dma_start3A_37 = arith.constant 0 : i32
      %dma_start3A_38 = arith.constant 0 : i32
      %dma_start3A_39 = tpu.memref_slice %arg2[%run_scoped3A, %add3A, %dma_start3A_37, %dma_start3A_38] : memref<2x32x125x80xi32, #tpu.memory_space<hbm>> -> memref<1x1x125x80xi32, #tpu.memory_space<hbm>>
      %dma_start3A_40 = tpu.memref_squeeze %dma_start3A_39 : memref<1x1x125x80xi32, #tpu.memory_space<hbm>> -> memref<125x80xi32, #tpu.memory_space<hbm>>
      tpu.enqueue_dma source(%dma_start3A_40 : memref<125x80xi32, #tpu.memory_space<hbm>>) target(%arg4 : memref<125x80xi32, #tpu.memory_space<vmem>>) target_semaphore(%run_scoped3A_33 : memref<!tpu.dma_semaphore, #tpu.memory_space<semaphore_mem>>)
      %dma_wait3A = arith.constant 0 : i32
      %dma_wait3A_41 = arith.constant 0 : i32
      %dma_wait3A_42 = tpu.memref_slice %arg2[%run_scoped3A, %add3A, %dma_wait3A, %dma_wait3A_41] : memref<2x32x125x80xi32, #tpu.memory_space<hbm>> -> memref<1x1x125x80xi32, #tpu.memory_space<hbm>>
      %dma_wait3A_43 = tpu.memref_squeeze %dma_wait3A_42 : memref<1x1x125x80xi32, #tpu.memory_space<hbm>> -> memref<125x80xi32, #tpu.memory_space<hbm>>
      %dma_wait3A_44 = arith.constant 0 : i32
      %dma_wait3A_45 = arith.constant 0 : i32
      %dma_wait3A_46 = tpu.memref_slice %arg2[%run_scoped3A, %add3A, %dma_wait3A_44, %dma_wait3A_45] : memref<2x32x125x80xi32, #tpu.memory_space<hbm>> -> memref<1x1x125x80xi32, #tpu.memory_space<hbm>>
      %dma_wait3A_47 = tpu.memref_squeeze %dma_wait3A_46 : memref<1x1x125x80xi32, #tpu.memory_space<hbm>> -> memref<125x80xi32, #tpu.memory_space<hbm>>
      tpu.wait_dma2 semaphore(%run_scoped3A_33 : memref<!tpu.dma_semaphore, #tpu.memory_space<semaphore_mem>>) src(%dma_wait3A_47 : memref<125x80xi32, #tpu.memory_space<hbm>>) dst(%arg4 : memref<125x80xi32, #tpu.memory_space<vmem>>)
      tpu.yield
    }) : () -> ()
    %broadcast_in_dim3A_6 = arith.constant 1.000000e+00 : f32
    %broadcast_in_dim3A_7 = vector.broadcast %broadcast_in_dim3A_6 : f32 to vector<16xf32>
    %scan3A_8 = arith.constant 0 : i32
    %scan3A_9 = arith.constant 124 : i32
    %scan3A_10 = arith.addi %scan3A_8, %scan3A_9 : i32
    %scan3A_11 = arith.constant 4 : i32
    scf.for %scan3A_33 = %scan3A_8 to %scan3A_10 step %scan3A_11  : i32 {
      %mul3A_34 = arith.constant 1 : i32
      %mul3A_35 = arith.muli %scan3A_33, %mul3A_34 : i32
      %add3A_36 = arith.constant 0 : i32
      %add3A_37 = arith.addi %add3A_36, %mul3A_35 : i32
      %get3A_38 = arith.index_cast %add3A_37 : i32 to index
      %get3A_39 = arith.constant 0 : index
      %get3A_40 = tpu.vector_load %arg4[%get3A_38, %get3A_39] {strides = array<i32>} : memref<125x80xi32, #tpu.memory_space<vmem>>, vector<16xi32>,
      tpu.vector_store_idx %arg5[%get3A_40], %broadcast_in_dim3A_7 {add = true} : memref<10240xf32, #tpu.memory_space<vmem>>[vector<16xi32>], vector<16xf32>,
      %get3A_41 = arith.index_cast %add3A_37 : i32 to index
      %get3A_42 = arith.constant 16 : index
      %get3A_43 = tpu.vector_load %arg4[%get3A_41, %get3A_42] {strides = array<i32>} : memref<125x80xi32, #tpu.memory_space<vmem>>, vector<16xi32>,
      tpu.vector_store_idx %arg5[%get3A_43], %broadcast_in_dim3A_7 {add = true} : memref<10240xf32, #tpu.memory_space<vmem>>[vector<16xi32>], vector<16xf32>,
      %get3A_44 = arith.index_cast %add3A_37 : i32 to index
      %get3A_45 = arith.constant 32 : index
      %get3A_46 = tpu.vector_load %arg4[%get3A_44, %get3A_45] {strides = array<i32>} : memref<125x80xi32, #tpu.memory_space<vmem>>, vector<16xi32>,
      tpu.vector_store_idx %arg5[%get3A_46], %broadcast_in_dim3A_7 {add = true} : memref<10240xf32, #tpu.memory_space<vmem>>[vector<16xi32>], vector<16xf32>,
      %get3A_47 = arith.index_cast %add3A_37 : i32 to index
      %get3A_48 = arith.constant 48 : index
      %get3A_49 = tpu.vector_load %arg4[%get3A_47, %get3A_48] {strides = array<i32>} : memref<125x80xi32, #tpu.memory_space<vmem>>, vector<16xi32>,
      tpu.vector_store_idx %arg5[%get3A_49], %broadcast_in_dim3A_7 {add = true} : memref<10240xf32, #tpu.memory_space<vmem>>[vector<16xi32>], vector<16xf32>,
      %get3A_50 = arith.index_cast %add3A_37 : i32 to index
      %get3A_51 = arith.constant 64 : index
      %get3A_52 = tpu.vector_load %arg4[%get3A_50, %get3A_51] {strides = array<i32>} : memref<125x80xi32, #tpu.memory_space<vmem>>, vector<16xi32>,
      tpu.vector_store_idx %arg5[%get3A_52], %broadcast_in_dim3A_7 {add = true} : memref<10240xf32, #tpu.memory_space<vmem>>[vector<16xi32>], vector<16xf32>,
      %scan3A_53 = arith.constant 1 : i32
      %scan3A_54 = arith.addi %scan3A_33, %scan3A_53 : i32
      %mul3A_55 = arith.constant 1 : i32
      %mul3A_56 = arith.muli %scan3A_54, %mul3A_55 : i32
      %add3A_57 = arith.constant 0 : i32
      %add3A_58 = arith.addi %add3A_57, %mul3A_56 : i32
      %get3A_59 = arith.index_cast %add3A_58 : i32 to index
      %get3A_60 = arith.constant 0 : index
      %get3A_61 = tpu.vector_load %arg4[%get3A_59, %get3A_60] {strides = array<i32>} : memref<125x80xi32, #tpu.memory_space<vmem>>, vector<16xi32>,
      tpu.vector_store_idx %arg5[%get3A_61], %broadcast_in_dim3A_7 {add = true} : memref<10240xf32, #tpu.memory_space<vmem>>[vector<16xi32>], vector<16xf32>,
      %get3A_62 = arith.index_cast %add3A_58 : i32 to index
      %get3A_63 = arith.constant 16 : index
      %get3A_64 = tpu.vector_load %arg4[%get3A_62, %get3A_63] {strides = array<i32>} : memref<125x80xi32, #tpu.memory_space<vmem>>, vector<16xi32>,
      tpu.vector_store_idx %arg5[%get3A_64], %broadcast_in_dim3A_7 {add = true} : memref<10240xf32, #tpu.memory_space<vmem>>[vector<16xi32>], vector<16xf32>,
      %get3A_65 = arith.index_cast %add3A_58 : i32 to index
      %get3A_66 = arith.constant 32 : index
      %get3A_67 = tpu.vector_load %arg4[%get3A_65, %get3A_66] {strides = array<i32>} : memref<125x80xi32, #tpu.memory_space<vmem>>, vector<16xi32>,
      tpu.vector_store_idx %arg5[%get3A_67], %broadcast_in_dim3A_7 {add = true} : memref<10240xf32, #tpu.memory_space<vmem>>[vector<16xi32>], vector<16xf32>,
      %get3A_68 = arith.index_cast %add3A_58 : i32 to index
      %get3A_69 = arith.constant 48 : index
      %get3A_70 = tpu.vector_load %arg4[%get3A_68, %get3A_69] {strides = array<i32>} : memref<125x80xi32, #tpu.memory_space<vmem>>, vector<16xi32>,
      tpu.vector_store_idx %arg5[%get3A_70], %broadcast_in_dim3A_7 {add = true} : memref<10240xf32, #tpu.memory_space<vmem>>[vector<16xi32>], vector<16xf32>,
      %get3A_71 = arith.index_cast %add3A_58 : i32 to index
      %get3A_72 = arith.constant 64 : index
      %get3A_73 = tpu.vector_load %arg4[%get3A_71, %get3A_72] {strides = array<i32>} : memref<125x80xi32, #tpu.memory_space<vmem>>, vector<16xi32>,
      tpu.vector_store_idx %arg5[%get3A_73], %broadcast_in_dim3A_7 {add = true} : memref<10240xf32, #tpu.memory_space<vmem>>[vector<16xi32>], vector<16xf32>,
      %scan3A_74 = arith.constant 2 : i32
      %scan3A_75 = arith.addi %scan3A_33, %scan3A_74 : i32
      %mul3A_76 = arith.constant 1 : i32
      %mul3A_77 = arith.muli %scan3A_75, %mul3A_76 : i32
      %add3A_78 = arith.constant 0 : i32
      %add3A_79 = arith.addi %add3A_78, %mul3A_77 : i32
      %get3A_80 = arith.index_cast %add3A_79 : i32 to index
      %get3A_81 = arith.constant 0 : index
      %get3A_82 = tpu.vector_load %arg4[%get3A_80, %get3A_81] {strides = array<i32>} : memref<125x80xi32, #tpu.memory_space<vmem>>, vector<16xi32>,
      tpu.vector_store_idx %arg5[%get3A_82], %broadcast_in_dim3A_7 {add = true} : memref<10240xf32, #tpu.memory_space<vmem>>[vector<16xi32>], vector<16xf32>,
      %get3A_83 = arith.index_cast %add3A_79 : i32 to index
      %get3A_84 = arith.constant 16 : index
      %get3A_85 = tpu.vector_load %arg4[%get3A_83, %get3A_84] {strides = array<i32>} : memref<125x80xi32, #tpu.memory_space<vmem>>, vector<16xi32>,
      tpu.vector_store_idx %arg5[%get3A_85], %broadcast_in_dim3A_7 {add = true} : memref<10240xf32, #tpu.memory_space<vmem>>[vector<16xi32>], vector<16xf32>,
      %get3A_86 = arith.index_cast %add3A_79 : i32 to index
      %get3A_87 = arith.constant 32 : index
      %get3A_88 = tpu.vector_load %arg4[%get3A_86, %get3A_87] {strides = array<i32>} : memref<125x80xi32, #tpu.memory_space<vmem>>, vector<16xi32>,
      tpu.vector_store_idx %arg5[%get3A_88], %broadcast_in_dim3A_7 {add = true} : memref<10240xf32, #tpu.memory_space<vmem>>[vector<16xi32>], vector<16xf32>,
      %get3A_89 = arith.index_cast %add3A_79 : i32 to index
      %get3A_90 = arith.constant 48 : index
      %get3A_91 = tpu.vector_load %arg4[%get3A_89, %get3A_90] {strides = array<i32>} : memref<125x80xi32, #tpu.memory_space<vmem>>, vector<16xi32>,
      tpu.vector_store_idx %arg5[%get3A_91], %broadcast_in_dim3A_7 {add = true} : memref<10240xf32, #tpu.memory_space<vmem>>[vector<16xi32>], vector<16xf32>,
      %get3A_92 = arith.index_cast %add3A_79 : i32 to index
      %get3A_93 = arith.constant 64 : index
      %get3A_94 = tpu.vector_load %arg4[%get3A_92, %get3A_93] {strides = array<i32>} : memref<125x80xi32, #tpu.memory_space<vmem>>, vector<16xi32>,
      tpu.vector_store_idx %arg5[%get3A_94], %broadcast_in_dim3A_7 {add = true} : memref<10240xf32, #tpu.memory_space<vmem>>[vector<16xi32>], vector<16xf32>,
      %scan3A_95 = arith.constant 3 : i32
      %scan3A_96 = arith.addi %scan3A_33, %scan3A_95 : i32
      %mul3A_97 = arith.constant 1 : i32
      %mul3A_98 = arith.muli %scan3A_96, %mul3A_97 : i32
      %add3A_99 = arith.constant 0 : i32
      %add3A_100 = arith.addi %add3A_99, %mul3A_98 : i32
      %get3A_101 = arith.index_cast %add3A_100 : i32 to index
      %get3A_102 = arith.constant 0 : index
      %get3A_103 = tpu.vector_load %arg4[%get3A_101, %get3A_102] {strides = array<i32>} : memref<125x80xi32, #tpu.memory_space<vmem>>, vector<16xi32>,
      tpu.vector_store_idx %arg5[%get3A_103], %broadcast_in_dim3A_7 {add = true} : memref<10240xf32, #tpu.memory_space<vmem>>[vector<16xi32>], vector<16xf32>,
      %get3A_104 = arith.index_cast %add3A_100 : i32 to index
      %get3A_105 = arith.constant 16 : index
      %get3A_106 = tpu.vector_load %arg4[%get3A_104, %get3A_105] {strides = array<i32>} : memref<125x80xi32, #tpu.memory_space<vmem>>, vector<16xi32>,
      tpu.vector_store_idx %arg5[%get3A_106], %broadcast_in_dim3A_7 {add = true} : memref<10240xf32, #tpu.memory_space<vmem>>[vector<16xi32>], vector<16xf32>,
      %get3A_107 = arith.index_cast %add3A_100 : i32 to index
      %get3A_108 = arith.constant 32 : index
      %get3A_109 = tpu.vector_load %arg4[%get3A_107, %get3A_108] {strides = array<i32>} : memref<125x80xi32, #tpu.memory_space<vmem>>, vector<16xi32>,
      tpu.vector_store_idx %arg5[%get3A_109], %broadcast_in_dim3A_7 {add = true} : memref<10240xf32, #tpu.memory_space<vmem>>[vector<16xi32>], vector<16xf32>,
      %get3A_110 = arith.index_cast %add3A_100 : i32 to index
      %get3A_111 = arith.constant 48 : index
      %get3A_112 = tpu.vector_load %arg4[%get3A_110, %get3A_111] {strides = array<i32>} : memref<125x80xi32, #tpu.memory_space<vmem>>, vector<16xi32>,
      tpu.vector_store_idx %arg5[%get3A_112], %broadcast_in_dim3A_7 {add = true} : memref<10240xf32, #tpu.memory_space<vmem>>[vector<16xi32>], vector<16xf32>,
      %get3A_113 = arith.index_cast %add3A_100 : i32 to index
      %get3A_114 = arith.constant 64 : index
      %get3A_115 = tpu.vector_load %arg4[%get3A_113, %get3A_114] {strides = array<i32>} : memref<125x80xi32, #tpu.memory_space<vmem>>, vector<16xi32>,
      tpu.vector_store_idx %arg5[%get3A_115], %broadcast_in_dim3A_7 {add = true} : memref<10240xf32, #tpu.memory_space<vmem>>[vector<16xi32>], vector<16xf32>,
    }
    %scan3A_12 = arith.constant 124 : i32
    %scan3A_13 = arith.addi %scan3A_8, %scan3A_12 : i32
    %mul3A_14 = arith.constant 1 : i32
    %mul3A_15 = arith.muli %scan3A_13, %mul3A_14 : i32
    %add3A_16 = arith.constant 0 : i32
    %add3A_17 = arith.addi %add3A_16, %mul3A_15 : i32
    %get3A = arith.index_cast %add3A_17 : i32 to index
    %get3A_18 = arith.constant 0 : index
    %get3A_19 = tpu.vector_load %arg4[%get3A, %get3A_18] {strides = array<i32>} : memref<125x80xi32, #tpu.memory_space<vmem>>, vector<16xi32>,
    tpu.vector_store_idx %arg5[%get3A_19], %broadcast_in_dim3A_7 {add = true} : memref<10240xf32, #tpu.memory_space<vmem>>[vector<16xi32>], vector<16xf32>,
    %get3A_20 = arith.index_cast %add3A_17 : i32 to index
    %get3A_21 = arith.constant 16 : index
    %get3A_22 = tpu.vector_load %arg4[%get3A_20, %get3A_21] {strides = array<i32>} : memref<125x80xi32, #tpu.memory_space<vmem>>, vector<16xi32>,
    tpu.vector_store_idx %arg5[%get3A_22], %broadcast_in_dim3A_7 {add = true} : memref<10240xf32, #tpu.memory_space<vmem>>[vector<16xi32>], vector<16xf32>,
    %get3A_23 = arith.index_cast %add3A_17 : i32 to index
    %get3A_24 = arith.constant 32 : index
    %get3A_25 = tpu.vector_load %arg4[%get3A_23, %get3A_24] {strides = array<i32>} : memref<125x80xi32, #tpu.memory_space<vmem>>, vector<16xi32>,
    tpu.vector_store_idx %arg5[%get3A_25], %broadcast_in_dim3A_7 {add = true} : memref<10240xf32, #tpu.memory_space<vmem>>[vector<16xi32>], vector<16xf32>,
    %get3A_26 = arith.index_cast %add3A_17 : i32 to index
    %get3A_27 = arith.constant 48 : index
    %get3A_28 = tpu.vector_load %arg4[%get3A_26, %get3A_27] {strides = array<i32>} : memref<125x80xi32, #tpu.memory_space<vmem>>, vector<16xi32>,
    tpu.vector_store_idx %arg5[%get3A_28], %broadcast_in_dim3A_7 {add = true} : memref<10240xf32, #tpu.memory_space<vmem>>[vector<16xi32>], vector<16xf32>,
    %get3A_29 = arith.index_cast %add3A_17 : i32 to index
    %get3A_30 = arith.constant 64 : index
    %get3A_31 = tpu.vector_load %arg4[%get3A_29, %get3A_30] {strides = array<i32>} : memref<125x80xi32, #tpu.memory_space<vmem>>, vector<16xi32>,
    tpu.vector_store_idx %arg5[%get3A_31], %broadcast_in_dim3A_7 {add = true} : memref<10240xf32, #tpu.memory_space<vmem>>[vector<16xi32>], vector<16xf32>,
    %scan3A_32 = arith.constant 125 : i32
    "tpu.region"() ({
      %run_scoped3A_33 = tpu.sem_alloc : memref<!tpu.dma_semaphore, #tpu.memory_space<semaphore_mem>>
      %dma_start3A = arith.constant 0 : i32
      %dma_start3A_34 = tpu.memref_slice %arg3[%add3A, %dma_start3A] : memref<32x10240xf32, #tpu.memory_space<hbm>> -> memref<1x10240xf32, #tpu.memory_space<hbm>>
      %dma_start3A_35 = tpu.memref_squeeze %dma_start3A_34 : memref<1x10240xf32, #tpu.memory_space<hbm>> -> memref<10240xf32, #tpu.memory_space<hbm>>
      %dma_start3A_36 = arith.constant 0 : i32
      %dma_start3A_37 = tpu.memref_slice %arg3[%add3A, %dma_start3A_36] : memref<32x10240xf32, #tpu.memory_space<hbm>> -> memref<1x10240xf32, #tpu.memory_space<hbm>>
      %dma_start3A_38 = tpu.memref_squeeze %dma_start3A_37 : memref<1x10240xf32, #tpu.memory_space<hbm>> -> memref<10240xf32, #tpu.memory_space<hbm>>
      tpu.enqueue_dma source(%arg5 : memref<10240xf32, #tpu.memory_space<vmem>>) target(%dma_start3A_38 : memref<10240xf32, #tpu.memory_space<hbm>>) target_semaphore(%run_scoped3A_33 : memref<!tpu.dma_semaphore, #tpu.memory_space<semaphore_mem>>)
      %dma_wait3A = arith.constant 0 : i32
      %dma_wait3A_39 = tpu.memref_slice %arg3[%add3A, %dma_wait3A] : memref<32x10240xf32, #tpu.memory_space<hbm>> -> memref<1x10240xf32, #tpu.memory_space<hbm>>
      %dma_wait3A_40 = tpu.memref_squeeze %dma_wait3A_39 : memref<1x10240xf32, #tpu.memory_space<hbm>> -> memref<10240xf32, #tpu.memory_space<hbm>>
      %dma_wait3A_41 = arith.constant 0 : i32
      %dma_wait3A_42 = tpu.memref_slice %arg3[%add3A, %dma_wait3A_41] : memref<32x10240xf32, #tpu.memory_space<hbm>> -> memref<1x10240xf32, #tpu.memory_space<hbm>>
      %dma_wait3A_43 = tpu.memref_squeeze %dma_wait3A_42 : memref<1x10240xf32, #tpu.memory_space<hbm>> -> memref<10240xf32, #tpu.memory_space<hbm>>
      tpu.wait_dma2 semaphore(%run_scoped3A_33 : memref<!tpu.dma_semaphore, #tpu.memory_space<semaphore_mem>>) src(%arg5 : memref<10240xf32, #tpu.memory_space<vmem>>) dst(%dma_wait3A_43 : memref<10240xf32, #tpu.memory_space<hbm>>)
      tpu.yield
    }) : () -> ()
    return
  }
}

module attributes {stable_mosaic.version = 14 : i64} {
  func.func @_tc1_body(%arg0: i32, %arg1: memref<2048x128xf32, #tpu.memory_space<vmem>>, %arg2: memref<128x128xf32, #tpu.memory_space<vmem>>, %arg3: memref<32x2048xf32, #tpu.memory_space<vmem>>, %arg4: memref<2048x128xf32, #tpu.memory_space<vmem>>) attributes {dimension_semantics = [#tpu.dimension_semantics<arbitrary>], iteration_bounds = array<i64: 5>, scalar_prefetch = 0 : i64, scratch_operands = 0 : i64, tpu.core_type = #tpu.core_type<tc>, window_params = [{transform_indices = @transform_0, window_bounds = array<i64: 2048, 128>}, {pipeline_mode = #tpu.pipeline_mode<synchronous>, transform_indices = @transform_1, window_bounds = array<i64: 128, 128>}, {transform_indices = @transform_2, window_bounds = array<i64: 32, 2048>}, {transform_indices = @transform_3, window_bounds = array<i64: 2048, 128>}]} {
    %get3A = arith.constant 0 : index
    %get3A_0 = arith.constant 0 : index
    %get3A_1 = vector.load %arg3[%get3A, %get3A_0] : memref<32x2048xf32, #tpu.memory_space<vmem>>, vector<32x2048xf32>
    %reduce_sum3A = arith.constant dense<0.000000e+00> : vector<2048xf32>
    %reduce_sum3A_2 = vector.multi_reduction <add>, %get3A_1, %reduce_sum3A [0] : vector<32x2048xf32> to vector<2048xf32>
    %add3A = arith.constant 1.000000e+00 : f32
    %add3A_3 = vector.broadcast %add3A : f32 to vector<2048xf32>
    %add3A_4 = arith.addf %reduce_sum3A_2, %add3A_3 : vector<2048xf32>
    %rsqrt3A = math.rsqrt %add3A_4 : vector<2048xf32>
    %reshape3A = vector.shape_cast %rsqrt3A : vector<2048xf32> to vector<2048x1xf32>
    %get3A_5 = arith.constant 0 : index
    %get3A_6 = arith.constant 0 : index
    %get3A_7 = vector.load %arg1[%get3A_5, %get3A_6] : memref<2048x128xf32, #tpu.memory_space<vmem>>, vector<2048x128xf32>
    %get3A_8 = arith.constant 0 : index
    %get3A_9 = arith.constant 0 : index
    %get3A_10 = vector.load %arg2[%get3A_8, %get3A_9] : memref<128x128xf32, #tpu.memory_space<vmem>>, vector<128x128xf32>
    %dot_general3A = arith.constant dense<0.000000e+00> : vector<2048x128xf32>
    %dot_general3A_11 = tpu.matmul %get3A_7, %get3A_10, %dot_general3A {dimension_numbers = #tpu.dot_dimension_numbers<[1], [0], [0], [1], [0, 0, 1, 1], [], []>, transpose_lhs_hint = false} : vector<2048x128xf32>, vector<128x128xf32>, vector<2048x128xf32> -> vector<2048x128xf32>
    %mul3A = vector.broadcast %reshape3A : vector<2048x1xf32> to vector<2048x128xf32>
    %mul3A_12 = arith.mulf %mul3A, %dot_general3A_11 : vector<2048x128xf32>
    %swap3A = arith.constant 0 : index
    %swap3A_13 = arith.constant 0 : index
    %swap3A_14 = vector.load %arg4[%swap3A, %swap3A_13] : memref<2048x128xf32, #tpu.memory_space<vmem>>, vector<2048x128xf32>
    tpu.vector_store %arg4[%swap3A, %swap3A_13], %mul3A_12 {strides = array<i32>} : memref<2048x128xf32, #tpu.memory_space<vmem>>, vector<2048x128xf32>,
    return
  }
  func.func @transform_0(%arg0: i32) -> (i32, i32) {
    %c0_i32 = arith.constant 0 : i32
    %c0_i32_0 = arith.constant 0 : i32
    return %arg0, %c0_i32 : i32, i32
  }
  func.func @transform_1(%arg0: i32) -> (i32, i32) {
    %c0_i32 = arith.constant 0 : i32
    %c0_i32_0 = arith.constant 0 : i32
    %c0_i32_1 = arith.constant 0 : i32
    return %c0_i32, %c0_i32_0 : i32, i32
  }
  func.func @transform_2(%arg0: i32) -> (i32, i32) {
    %c0_i32 = arith.constant 0 : i32
    %c0_i32_0 = arith.constant 0 : i32
    return %c0_i32, %arg0 : i32, i32
  }
  func.func @transform_3(%arg0: i32) -> (i32, i32) {
    %c0_i32 = arith.constant 0 : i32
    %c0_i32_0 = arith.constant 0 : i32
    return %arg0, %c0_i32 : i32, i32
  }
}

module attributes {stable_mosaic.version = 14 : i64} {
  func.func @_tc2_body(%arg0: i32, %arg1: memref<2x2048x128xf32, #tpu.memory_space<vmem>>, %arg2: memref<2048x128xf32, #tpu.memory_space<vmem>>, %arg3: memref<32x2048xf32, #tpu.memory_space<vmem>>, %arg4: memref<1x128xf32, #tpu.memory_space<vmem>>, %arg5: memref<128x128xf32, #tpu.memory_space<vmem>>, %arg6: memref<2048x128xf32, #tpu.memory_space<vmem>>) attributes {dimension_semantics = [#tpu.dimension_semantics<arbitrary>], iteration_bounds = array<i64: 5>, scalar_prefetch = 0 : i64, scratch_operands = 0 : i64, tpu.core_type = #tpu.core_type<tc>, window_params = [{transform_indices = @transform_0, window_bounds = array<i64: 2, 2048, 128>}, {transform_indices = @transform_1, window_bounds = array<i64: 2048, 128>}, {transform_indices = @transform_2, window_bounds = array<i64: 32, 2048>}, {pipeline_mode = #tpu.pipeline_mode<synchronous>, transform_indices = @transform_3, window_bounds = array<i64: 1, 128>}, {pipeline_mode = #tpu.pipeline_mode<synchronous>, transform_indices = @transform_4, window_bounds = array<i64: 128, 128>}, {transform_indices = @transform_5, window_bounds = array<i64: 2048, 128>}]} {
    %get3A = arith.constant 0 : index
    %get3A_0 = arith.constant 0 : index
    %get3A_1 = vector.load %arg3[%get3A, %get3A_0] : memref<32x2048xf32, #tpu.memory_space<vmem>>, vector<32x2048xf32>
    %reduce_sum3A = arith.constant dense<0.000000e+00> : vector<2048xf32>
    %reduce_sum3A_2 = vector.multi_reduction <add>, %get3A_1, %reduce_sum3A [0] : vector<32x2048xf32> to vector<2048xf32>
    %add3A = arith.constant 1.000000e+00 : f32
    %add3A_3 = vector.broadcast %add3A : f32 to vector<2048xf32>
    %add3A_4 = arith.addf %reduce_sum3A_2, %add3A_3 : vector<2048xf32>
    %rsqrt3A = math.rsqrt %add3A_4 : vector<2048xf32>
    %reshape3A = vector.shape_cast %rsqrt3A : vector<2048xf32> to vector<2048x1xf32>
    %get3A_5 = arith.constant 0 : index
    %get3A_6 = arith.constant 0 : index
    %get3A_7 = arith.constant 0 : index
    %get3A_8 = vector.load %arg1[%get3A_5, %get3A_6, %get3A_7] : memref<2x2048x128xf32, #tpu.memory_space<vmem>>, vector<1x2048x128xf32>
    %get3A_9 = vector.shape_cast %get3A_8 : vector<1x2048x128xf32> to vector<2048x128xf32>
    %get3A_10 = arith.constant 1 : index
    %get3A_11 = arith.constant 0 : index
    %get3A_12 = arith.constant 0 : index
    %get3A_13 = vector.load %arg1[%get3A_10, %get3A_11, %get3A_12] : memref<2x2048x128xf32, #tpu.memory_space<vmem>>, vector<1x2048x128xf32>
    %get3A_14 = vector.shape_cast %get3A_13 : vector<1x2048x128xf32> to vector<2048x128xf32>
    %add3A_15 = arith.addf %get3A_9, %get3A_14 : vector<2048x128xf32>
    %get3A_16 = arith.constant 0 : index
    %get3A_17 = arith.constant 0 : index
    %get3A_18 = vector.load %arg2[%get3A_16, %get3A_17] : memref<2048x128xf32, #tpu.memory_space<vmem>>, vector<2048x128xf32>
    %add3A_19 = arith.addf %add3A_15, %get3A_18 : vector<2048x128xf32>
    %mul3A = vector.broadcast %reshape3A : vector<2048x1xf32> to vector<2048x128xf32>
    %mul3A_20 = arith.mulf %mul3A, %add3A_19 : vector<2048x128xf32>
    %get3A_21 = arith.constant 0 : index
    %get3A_22 = arith.constant 0 : index
    %get3A_23 = vector.load %arg4[%get3A_21, %get3A_22] : memref<1x128xf32, #tpu.memory_space<vmem>>, vector<1x128xf32>
    %add3A_24 = vector.broadcast %get3A_23 : vector<1x128xf32> to vector<2048x128xf32>
    %add3A_25 = arith.addf %mul3A_20, %add3A_24 : vector<2048x128xf32>
    %max3A = arith.constant 0.000000e+00 : f32
    %max3A_26 = vector.broadcast %max3A : f32 to vector<2048x128xf32>
    %max3A_27 = arith.maximumf %add3A_25, %max3A_26 : vector<2048x128xf32>
    %get3A_28 = arith.constant 0 : index
    %get3A_29 = arith.constant 0 : index
    %get3A_30 = vector.load %arg5[%get3A_28, %get3A_29] : memref<128x128xf32, #tpu.memory_space<vmem>>, vector<128x128xf32>
    %dot_general3A = arith.constant dense<0.000000e+00> : vector<2048x128xf32>
    %dot_general3A_31 = tpu.matmul %max3A_27, %get3A_30, %dot_general3A {dimension_numbers = #tpu.dot_dimension_numbers<[1], [0], [0], [1], [0, 0, 1, 1], [], []>, transpose_lhs_hint = false} : vector<2048x128xf32>, vector<128x128xf32>, vector<2048x128xf32> -> vector<2048x128xf32>
    %mul3A_32 = vector.broadcast %reshape3A : vector<2048x1xf32> to vector<2048x128xf32>
    %mul3A_33 = arith.mulf %mul3A_32, %dot_general3A_31 : vector<2048x128xf32>
    %swap3A = arith.constant 0 : index
    %swap3A_34 = arith.constant 0 : index
    %swap3A_35 = vector.load %arg6[%swap3A, %swap3A_34] : memref<2048x128xf32, #tpu.memory_space<vmem>>, vector<2048x128xf32>
    tpu.vector_store %arg6[%swap3A, %swap3A_34], %mul3A_33 {strides = array<i32>} : memref<2048x128xf32, #tpu.memory_space<vmem>>, vector<2048x128xf32>,
    return
  }
  func.func @transform_0(%arg0: i32) -> (i32, i32, i32) {
    %c0_i32 = arith.constant 0 : i32
    %c0_i32_0 = arith.constant 0 : i32
    %c0_i32_1 = arith.constant 0 : i32
    return %c0_i32, %arg0, %c0_i32_0 : i32, i32, i32
  }
  func.func @transform_1(%arg0: i32) -> (i32, i32) {
    %c0_i32 = arith.constant 0 : i32
    %c0_i32_0 = arith.constant 0 : i32
    return %arg0, %c0_i32 : i32, i32
  }
  func.func @transform_2(%arg0: i32) -> (i32, i32) {
    %c0_i32 = arith.constant 0 : i32
    %c0_i32_0 = arith.constant 0 : i32
    return %c0_i32, %arg0 : i32, i32
  }
  func.func @transform_3(%arg0: i32) -> (i32, i32) {
    %c0_i32 = arith.constant 0 : i32
    %c0_i32_0 = arith.constant 0 : i32
    %c0_i32_1 = arith.constant 0 : i32
    return %c0_i32, %c0_i32_0 : i32, i32
  }
  func.func @transform_4(%arg0: i32) -> (i32, i32) {
    %c0_i32 = arith.constant 0 : i32
    %c0_i32_0 = arith.constant 0 : i32
    %c0_i32_1 = arith.constant 0 : i32
    return %c0_i32, %c0_i32_0 : i32, i32
  }
  func.func @transform_5(%arg0: i32) -> (i32, i32) {
    %c0_i32 = arith.constant 0 : i32
    %c0_i32_0 = arith.constant 0 : i32
    return %arg0, %c0_i32 : i32, i32
  }
}

module attributes {stable_mosaic.version = 14 : i64} {
  func.func @_tc3_body(%arg0: i32, %arg1: memref<2x2048x128xf32, #tpu.memory_space<vmem>>, %arg2: memref<2048x128xf32, #tpu.memory_space<vmem>>, %arg3: memref<32x2048xf32, #tpu.memory_space<vmem>>, %arg4: memref<1x128xf32, #tpu.memory_space<vmem>>, %arg5: memref<128x128xf32, #tpu.memory_space<vmem>>, %arg6: memref<1x128xf32, #tpu.memory_space<vmem>>, %arg7: memref<2048x128xf32, #tpu.memory_space<vmem>>) attributes {dimension_semantics = [#tpu.dimension_semantics<arbitrary>], iteration_bounds = array<i64: 5>, scalar_prefetch = 0 : i64, scratch_operands = 0 : i64, tpu.core_type = #tpu.core_type<tc>, window_params = [{transform_indices = @transform_0, window_bounds = array<i64: 2, 2048, 128>}, {transform_indices = @transform_1, window_bounds = array<i64: 2048, 128>}, {transform_indices = @transform_2, window_bounds = array<i64: 32, 2048>}, {pipeline_mode = #tpu.pipeline_mode<synchronous>, transform_indices = @transform_3, window_bounds = array<i64: 1, 128>}, {pipeline_mode = #tpu.pipeline_mode<synchronous>, transform_indices = @transform_4, window_bounds = array<i64: 128, 128>}, {pipeline_mode = #tpu.pipeline_mode<synchronous>, transform_indices = @transform_5, window_bounds = array<i64: 1, 128>}, {transform_indices = @transform_6, window_bounds = array<i64: 2048, 128>}]} {
    %get3A = arith.constant 0 : index
    %get3A_0 = arith.constant 0 : index
    %get3A_1 = vector.load %arg3[%get3A, %get3A_0] : memref<32x2048xf32, #tpu.memory_space<vmem>>, vector<32x2048xf32>
    %reduce_sum3A = arith.constant dense<0.000000e+00> : vector<2048xf32>
    %reduce_sum3A_2 = vector.multi_reduction <add>, %get3A_1, %reduce_sum3A [0] : vector<32x2048xf32> to vector<2048xf32>
    %add3A = arith.constant 1.000000e+00 : f32
    %add3A_3 = vector.broadcast %add3A : f32 to vector<2048xf32>
    %add3A_4 = arith.addf %reduce_sum3A_2, %add3A_3 : vector<2048xf32>
    %rsqrt3A = math.rsqrt %add3A_4 : vector<2048xf32>
    %reshape3A = vector.shape_cast %rsqrt3A : vector<2048xf32> to vector<2048x1xf32>
    %get3A_5 = arith.constant 0 : index
    %get3A_6 = arith.constant 0 : index
    %get3A_7 = arith.constant 0 : index
    %get3A_8 = vector.load %arg1[%get3A_5, %get3A_6, %get3A_7] : memref<2x2048x128xf32, #tpu.memory_space<vmem>>, vector<1x2048x128xf32>
    %get3A_9 = vector.shape_cast %get3A_8 : vector<1x2048x128xf32> to vector<2048x128xf32>
    %get3A_10 = arith.constant 1 : index
    %get3A_11 = arith.constant 0 : index
    %get3A_12 = arith.constant 0 : index
    %get3A_13 = vector.load %arg1[%get3A_10, %get3A_11, %get3A_12] : memref<2x2048x128xf32, #tpu.memory_space<vmem>>, vector<1x2048x128xf32>
    %get3A_14 = vector.shape_cast %get3A_13 : vector<1x2048x128xf32> to vector<2048x128xf32>
    %add3A_15 = arith.addf %get3A_9, %get3A_14 : vector<2048x128xf32>
    %get3A_16 = arith.constant 0 : index
    %get3A_17 = arith.constant 0 : index
    %get3A_18 = vector.load %arg2[%get3A_16, %get3A_17] : memref<2048x128xf32, #tpu.memory_space<vmem>>, vector<2048x128xf32>
    %add3A_19 = arith.addf %add3A_15, %get3A_18 : vector<2048x128xf32>
    %mul3A = vector.broadcast %reshape3A : vector<2048x1xf32> to vector<2048x128xf32>
    %mul3A_20 = arith.mulf %mul3A, %add3A_19 : vector<2048x128xf32>
    %get3A_21 = arith.constant 0 : index
    %get3A_22 = arith.constant 0 : index
    %get3A_23 = vector.load %arg4[%get3A_21, %get3A_22] : memref<1x128xf32, #tpu.memory_space<vmem>>, vector<1x128xf32>
    %add3A_24 = vector.broadcast %get3A_23 : vector<1x128xf32> to vector<2048x128xf32>
    %add3A_25 = arith.addf %mul3A_20, %add3A_24 : vector<2048x128xf32>
    %get3A_26 = arith.constant 0 : index
    %get3A_27 = arith.constant 0 : index
    %get3A_28 = vector.load %arg5[%get3A_26, %get3A_27] : memref<128x128xf32, #tpu.memory_space<vmem>>, vector<128x128xf32>
    %dot_general3A = arith.constant dense<0.000000e+00> : vector<2048x128xf32>
    %dot_general3A_29 = tpu.matmul %add3A_25, %get3A_28, %dot_general3A {dimension_numbers = #tpu.dot_dimension_numbers<[1], [0], [0], [1], [0, 0, 1, 1], [], []>, transpose_lhs_hint = false} : vector<2048x128xf32>, vector<128x128xf32>, vector<2048x128xf32> -> vector<2048x128xf32>
    %get3A_30 = arith.constant 0 : index
    %get3A_31 = arith.constant 0 : index
    %get3A_32 = vector.load %arg6[%get3A_30, %get3A_31] : memref<1x128xf32, #tpu.memory_space<vmem>>, vector<1x128xf32>
    %add3A_33 = vector.broadcast %get3A_32 : vector<1x128xf32> to vector<2048x128xf32>
    %add3A_34 = arith.addf %dot_general3A_29, %add3A_33 : vector<2048x128xf32>
    %swap3A = arith.constant 0 : index
    %swap3A_35 = arith.constant 0 : index
    %swap3A_36 = vector.load %arg7[%swap3A, %swap3A_35] : memref<2048x128xf32, #tpu.memory_space<vmem>>, vector<2048x128xf32>
    tpu.vector_store %arg7[%swap3A, %swap3A_35], %add3A_34 {strides = array<i32>} : memref<2048x128xf32, #tpu.memory_space<vmem>>, vector<2048x128xf32>,
    return
  }
  func.func @transform_0(%arg0: i32) -> (i32, i32, i32) {
    %c0_i32 = arith.constant 0 : i32
    %c0_i32_0 = arith.constant 0 : i32
    %c0_i32_1 = arith.constant 0 : i32
    return %c0_i32, %arg0, %c0_i32_0 : i32, i32, i32
  }
  func.func @transform_1(%arg0: i32) -> (i32, i32) {
    %c0_i32 = arith.constant 0 : i32
    %c0_i32_0 = arith.constant 0 : i32
    return %arg0, %c0_i32 : i32, i32
  }
  func.func @transform_2(%arg0: i32) -> (i32, i32) {
    %c0_i32 = arith.constant 0 : i32
    %c0_i32_0 = arith.constant 0 : i32
    return %c0_i32, %arg0 : i32, i32
  }
  func.func @transform_3(%arg0: i32) -> (i32, i32) {
    %c0_i32 = arith.constant 0 : i32
    %c0_i32_0 = arith.constant 0 : i32
    %c0_i32_1 = arith.constant 0 : i32
    return %c0_i32, %c0_i32_0 : i32, i32
  }
  func.func @transform_4(%arg0: i32) -> (i32, i32) {
    %c0_i32 = arith.constant 0 : i32
    %c0_i32_0 = arith.constant 0 : i32
    %c0_i32_1 = arith.constant 0 : i32
    return %c0_i32, %c0_i32_0 : i32, i32
  }
  func.func @transform_5(%arg0: i32) -> (i32, i32) {
    %c0_i32 = arith.constant 0 : i32
    %c0_i32_0 = arith.constant 0 : i32
    %c0_i32_1 = arith.constant 0 : i32
    return %c0_i32, %c0_i32_0 : i32, i32
  }
  func.func @transform_6(%arg0: i32) -> (i32, i32) {
    %c0_i32 = arith.constant 0 : i32
    %c0_i32_0 = arith.constant 0 : i32
    return %arg0, %c0_i32 : i32, i32
  }
}

</mosaic_0001>

<sc_bundles>
// kernel: kernel.11.cloned.1.call-start
scs
__scs_entry_jumppad:
0x0: {  	(pc) =	sbr.rel $0x88, $3  }
0x1: {  	(tag) =	ssettag $0x0;
	lr =	simm.s32 $0x1  }
0x2: {  	[smem:$0x3F99] =	sst lr;
	_ =	strace $0xD0000000  }
0x3: {  	_ = 	snop  }
0x4: {  	_ = 	snop  }
0x5: {  	_ = 	snop  }
0x6: {  	_ = 	snop  }
0x7: {  	_ = 	snop  }
__scs_overlays_trampoline_lowered:
0x8: {  	[smem:$0x3FA8] =	sst s0  }
0x9: {  	[smem:$0x3FA9] =	sst s1  }
0xa: {  	[smem:$0x3FAA] =	sst s2  }
0xb: {  	[smem:$0x3FAB] =	sst s3  }
0xc: {  	[smem:$0x3FAC] =	sst s4  }
0xd: {  	[smem:$0x3FAD] =	sst s5  }
0xe: {  	[smem:$0x3FAE] =	sst s6  }
0xf: {  	[smem:$0x3FAF] =	sst s7  }
0x10: {  	[smem:$0x3FB0] =	sst s8  }
0x11: {  	[smem:$0x3FB1] =	sst s9;
	s0 =	simm.s32 @!p0 $0x0  }
0x12: {  	s1 =	sld [smem:$0x3F97];
	s0 =	simm.s32 @p0 $0x1  }
0x13: {  	[smem:$0x3FB2] =	sst s0;
	s0 =	simm.s32 @!p1 $0x0  }
0x14: {  	s2 =	sld [smem:$0x3F96];
	s0 =	simm.s32 @p1 $0x1  }
0x15: {  	[smem:$0x3FB3] =	sst s0;
	s0 =	simm.s32 @!p2 $0x0  }
0x16: {  	s3 =	sld [smem:$0x3FDB];
	s0 =	simm.s32 @p2 $0x1  }
0x17: {  	s4 =	simm.s32 $0x1BF5;
	[smem:$0x3FB5] =	sst s0  }
0x18: {  	s0 =	sld [smem:$0x3F98];
	_ =	swait.ge [sflag:s4], $0x0  }
0x19: {  	s7 =	sld [smem:$0x3F99]  }
0x1a: {  	s8 =	sadd.s32 $0xFFFFE003, lr  }
0x1b: {  	s9 =	sadd.s32 $0xFFFFFEF7, lr;
	s5 =	simm.s32 $0xFFFFFFFF;
	p2 =	slt.u32 s8, $0xFFFFF086  }
0x1c: {  	p1 =	slt.u32 s9, $0xF7A;
	s5 =	simm.s32 @!p2 $0x0  }
0x1d: {  	s5 =	simm.s32 @p1 $0x1;
	p0 =	seq.s32 s7, s2  }
0x1e: {  	s7 =	smul.u32 @!p0 $0xF7A, s2;
	p2 =	seq.s32 @!p0 s5, $0x0  }
0x1f: {  	s9 =	smul.u32 $0xF7A, s1;
	s8 =	simm.s32 @!p0 $0x1BF5;
	p2 =	por !p2, p0  }
0x20: {  	[sflag:s8] =	ssyncset.s32 @!p0 $0xFFFFF086;
	s6 =	sadd.s32 @!p0 s3, s7;
	s7 =	simm.s32 @!p0 $0x108  }
0x21: {  	s3 =	sadd.s32 s3, s9;
	s6 =	sadd.s32 @!p0 $0x88, s6;
	s7 =	simm.s32 @p2 $0x1082  }
0x22: {  	[simem:s7], [sflag:s8] =	dma.local @!p0 [hbm:s6], $0xF7A  }
0x23: {  	s9 =	sor.u32 $0xD0000000, s2;
	s6 =	simm.s32 $0x108;
	_ =	swait.ge @!p0 [sflag:s8], $0x0  }
0x24: {  	s3 =	sadd.s32 $0x88, s3;
	s6 =	simm.s32 @!p1 $0x1082;
	[sflag:s4] =	ssyncset.s32 $0xFFFFF086  }
0x25: {  	[simem:s6], [sflag:s4] =	dma.local [hbm:s3], $0xF7A  }
0x26: {  	[smem:$0x3F99] =	sst s1;
	(tag) =	ssettag s2;
	_ =	strace s9  }
0x27: {  	s1 =	sld [smem:$0x3FA9]  }
0x28: {  	s2 =	sld [smem:$0x3FAA]  }
0x29: {  	s4 =	sld [smem:$0x3FAC]  }
0x2a: {  	p0 =	seq.s32 s5, $0x0;
	s5 =	sld [smem:$0x3FAD]  }
0x2b: {  	s6 =	sld [smem:$0x3FAE]  }
0x2c: {  	s7 =	sld [smem:$0x3FAF]  }
0x2d: {  	s3 =	simm.s32 $0x108;
	s8 =	sld [smem:$0x3FB0]  }
0x2e: {  	s3 =	simm.s32 @!p0 $0x1082;
	s9 =	sld [smem:$0x3FB1]  }
0x2f: {  	lr =	sadd.s32 s0, s3;
	s0 =	sld [smem:$0x3FA8]  }
0x30: {  	s3 =	sld [smem:$0x3FAB]  }
0x31: {  	[smem:$0x3FB4] =	sst s10  }
0x32: {  	s10 =	sld [smem:$0x3FB2];
	_ =	sdelay $0x3  }
0x33: {  	p0 =	seq.s32 s10, $0x1;
	s10 =	sld [smem:$0x3FB4];
	_ =	sdelay $0x3  }
0x34: {  	[smem:$0x3FB4] =	sst s10  }
0x35: {  	s10 =	sld [smem:$0x3FB3];
	_ =	sdelay $0x3  }
0x36: {  	p1 =	seq.s32 s10, $0x1;
	s10 =	sld [smem:$0x3FB4];
	_ =	sdelay $0x3  }
0x37: {  	[smem:$0x3FB4] =	sst s10  }
0x38: {  	s10 =	sld [smem:$0x3FB5]  }
0x39: {  	_ = 	snop;
	(pc) =	sbr.ind lr, $3  }
0x3a: {  	_ = 	snop  }
0x3b: {  	_ = 	snop  }
0x3c: {  	p2 =	seq.s32 s10, $0x1;
	s10 =	sld [smem:$0x3FB4]  }
0x3d: {  	_ =	shalt  }
0x3e: {  	_ =	shalt  }
0x3f: {  	_ =	shalt  }
0x40: {  	_ =	shalt  }
0x41: {  	_ =	shalt  }
0x42: {  	_ =	shalt  }
0x43: {  	_ =	shalt  }
0x44: {  	_ =	shalt  }
0x45: {  	_ =	shalt  }
0x46: {  	_ =	shalt  }
0x47: {  	_ =	shalt  }
0x48: {  	_ =	shalt  }
0x49: {  	_ =	shalt  }
0x4a: {  	_ =	shalt  }
0x4b: {  	_ =	shalt  }
0x4c: {  	_ =	shalt  }
0x4d: {  	_ =	shalt  }
0x4e: {  	_ =	shalt  }
0x4f: {  	_ =	shalt  }
0x50: {  	_ =	shalt  }
0x51: {  	_ =	shalt  }
0x52: {  	_ =	shalt  }
0x53: {  	_ =	shalt  }
0x54: {  	_ =	shalt  }
0x55: {  	_ =	shalt  }
0x56: {  	_ =	shalt  }
0x57: {  	_ =	shalt  }
0x58: {  	_ =	shalt  }
0x59: {  	_ =	shalt  }
0x5a: {  	_ =	shalt  }
0x5b: {  	_ =	shalt  }
0x5c: {  	_ =	shalt  }
0x5d: {  	_ =	shalt  }
0x5e: {  	_ =	shalt  }
0x5f: {  	_ =	shalt  }
0x60: {  	_ =	shalt  }
0x61: {  	_ =	shalt  }
0x62: {  	_ =	shalt  }
0x63: {  	_ =	shalt  }
0x64: {  	_ =	shalt  }
0x65: {  	_ =	shalt  }
0x66: {  	_ =	shalt  }
0x67: {  	_ =	shalt  }
0x68: {  	_ =	shalt  }
0x69: {  	_ =	shalt  }
0x6a: {  	_ =	shalt  }
0x6b: {  	_ =	shalt  }
0x6c: {  	_ =	shalt  }
0x6d: {  	_ =	shalt  }
0x6e: {  	_ =	shalt  }
0x6f: {  	_ =	shalt  }
0x70: {  	_ =	shalt  }
0x71: {  	_ =	shalt  }
0x72: {  	_ =	shalt  }
0x73: {  	_ =	shalt  }
0x74: {  	_ =	shalt  }
0x75: {  	_ =	shalt  }
0x76: {  	_ =	shalt  }
0x77: {  	_ =	shalt  }
0x78: {  	_ =	shalt  }
0x79: {  	_ =	shalt  }
0x7a: {  	_ =	shalt  }
0x7b: {  	_ =	shalt  }
0x7c: {  	_ =	shalt  }
0x7d: {  	_ =	shalt  }
0x7e: {  	_ =	shalt  }
0x7f: {  	_ =	shalt  }
0x80: {  	_ =	shalt  }
0x81: {  	_ =	shalt  }
0x82: {  	_ =	shalt  }
0x83: {  	_ =	shalt  }
0x84: {  	_ =	shalt  }
0x85: {  	_ =	shalt  }
0x86: {  	_ =	shalt  }
0x87: {  	_ =	shalt  }
.Lfunc_end0:
.L_simem_size_0:
called_computation.1_lowered:
.L_overlay_start_0:
0x88: {  	s2 =	sld [smem:$0x3FD9]  }
0x89: {  	s3 =	sld [smem:$0x3FFE];
	_ =	sdelay $0x1  }
0x8a: {  	s1 =	srdreg.scid  }
0x8b: {  	s0 =	sand.u32 $0x1, s1  }
0x8c: {  	s17 =	sshll.u32 s0, $0xA;
	s2 =	sadd.s32 s3, s2  }
0x8d: {  	s2 =	sadd.s32 s2, s17  }
0x8e: {  	[smem:$0x3FC0] =	sst s2  }
0x8f: {  	_ = 	snop  }
0x90: {  	s2 =	sld [smem:$0x3FD0];
	(tm) =	ssettm $0x1  }
0x91: {  	s18 =	sld [smem:$0x3FFB];
	_ =	sdelay $0x3  }
0x92: {  	_ =	strace s18  }
0x93: {  	s3 =	sld [smem:$0x3FFC];
	_ =	sdelay $0x3  }
0x94: {  	_ =	strace s3  }
0x95: {  	s3 =	sld [smem:$0x3FFD];
	_ =	sdelay $0x3  }
0x96: {  	_ =	strace s3  }
0x97: {  	_ =	strace $0x8FFFFFFF  }
0x98: {  	s19 =	sld [smem:$0x3FDB];
	_ =	sdelay $0x1  }
0x99: {  	s4 =	simm.s32 $_scs_section_size  }
0x9a: {  	s5 =	simm.s32 $_size__tile_overlayer_lowered;
	s6 =	simm.s32 $_tile_overlayer_lowered  }
0x9b: {  	s22 =	simm.s32 $0x1BFF;
	s21 =	sshll.u32 s6, $0x1;
	s3 =	sadd.s32 s4, s19  }
0x9c: {  	s7 =	simm.s32 $0x0;
	s20 =	sshll.u32 s5, $0x1;
	s5 =	sadd.s32 s21, s3  }
0x9d: {  	[timem:s7], [sflag:s22] =	dma.local [hbm:s5], s20  }
0x9e: {  	_ =	swait.ge [sflag:s22], s20  }
0x9f: {  	s4 =	ssub.s32 $0x0, s20;
	[sflag:s22] =	ssyncset.done $0x0  }
0xa0: {  	[sflag:s22] =	ssyncadd.s32 s4;
	_ =	sdelay $0x1  }
0xa1: {  	s23 =	simm.s32 $0x1B8B  }
0xa2: {  	_ =	swait.ge [sflag:s23], $0x1  }
0xa3: {  	[sflag:s23] =	ssyncset.done $0x0  }
0xa4: {  	s25 =	simm.s32 $0x1B8E;
	s24 =	sld [smem:$0x3FFE];
	[sflag:s23] =	ssyncadd.s32 $0xFFFFFFFF  }
0xa5: {  	s26 =	simm.s32 $execute0_lowered;
	[smem:$0x3FD2] =	sst s25  }
0xa6: {  	s5 =	sshll.u32 s26, $0x1;
	_ =	strace $0x80000049;
	[dreg:$0x1] =	wrdreg $0xFFFFFFFF  }
0xa7: {  	s28 =	simm.s32 $_size_execute0_lowered;
	s3 =	sadd.s32 s3, s5;
	[dreg:$0x0] =	wrdreg $0x0  }
0xa8: {  	s5 =	sshll.u32 s28, $0x1;
	[dreg:$0x2] =	wrdreg s3  }
0xa9: {  	[dreg:$0x3] =	wrdreg s5  }
0xaa: {  	[dreg:$0x4] =	wrdreg $0xC0  }
0xab: {  	_ =	task [dreg:s7], $0x5FFFF  }
0xac: {  	[dreg:$0x1] =	wrdreg $0xFFFFFFFF  }
0xad: {  	[dreg:$0x0] =	wrdreg $0x60  }
0xae: {  	[dreg:$0x2] =	wrdreg s2  }
0xaf: {  	[dreg:$0x3] =	wrdreg s24  }
0xb0: {  	[dreg:$0x4] =	wrdreg $0xB7800  }
0xb1: {  	[dreg:$0x5] =	wrdreg $0x9  }
0xb2: {  	_ =	task.clear_ibuf [dreg:s7], $0x6FFFF;
	_ =	strace $0x90000049  }
0xb3: {  	s29 =	simm.s32 $0x9;
	_ =	strace $0x8000004B  }
0xb4: {  	_ =	swait.ge [sflag:s29], $0x1  }
0xb5: {  	[sflag:s29] =	ssyncadd.s32 $0xFFFFFFFF  }
0xb6: {  	_ =	strace $0x9000004B  }
0xb7: {  	_ =	sfence  }
0xb8: {  	s30 =	sld [smem:$0x0];
	_ =	sdelay $0x2  }
0xb9: {  	s31 =	sshll.u32 s1, $0xD;
	s1 =	sshrl.u32 s1, $0x2  }
0xba: {  	s3 =	sand.u32 $0x4000, s31;
	s1 =	sadd.s32 s1, s30  }
0xbb: {  	s0 =	sor.u32 s3, s0;
	s1 =	sshll.u32 s1, $0x11  }
0xbc: {  	s0 =	sor.u32 s1, s0  }
0xbd: {  	s0 =	sadd.s32 $0x8F2B, s0  }
0xbe: {  	[sflag:s0] =	ssyncadd.remote.s32 $0x1  }
0xbf: {  	_ =	sfence.sel $0xFFFF  }
0xc0: {  	[dreg:$0x0] =	wrdreg $0xFFFFFFFF;
	(pc) =	sbr.abs _section_cstart, $3  }
0xc1: {  	[dreg:$0x1] =	wrdreg $0xFFFFFFFF  }
0xc2: {  	_ =	task.clear_ibuf [dreg:s7], $0x2FFFF;
	_ =	strace $0x9FFFFFFF  }
0xc3: {  	(tm) =	ssettm $0x7FFFFFFF  }
tec
execute0_lowered:
.L_overlay_start_1:
0x0: {  	(tag) =	ssettag $0x1  }
0x1: {  	s1 =	rddreg [dreg:$0x0]  }
0x2: {  	s0 =	srdreg.scid;
	s2 =	rddreg [dreg:$0x1]  }
0x3: {  	s9 =	stileid.u32;
	s3 =	rddreg [dreg:$0x2]  }
0x4: {  	s17 =	simm.s32 $0x6780;
	s21 =	simm.s32 $0x1;
	s28 =	simm.s32 $0x6480  }
0x5: {  	s29 =	simm.s32 $0x26C0;
	s30 =	simm.s32 $0x6500;
	s23 =	smul.u32 $0x14000, s9  }
0x6: {  	s4 =	sshll.u32 s9, $0x1;
	s22 =	sshrl.u32 s9, $0x2;
	s9 =	smul.u32 $0x50000, s9  }
0x7: {  	s31 =	simm.s32 $0x6580;
	s0 =	sand.u32 $0x1, s0;
	s6 =	smul.u32 $0x13C00, s22  }
0x8: {  	s5 =	sor.u32 s0, s4;
	s4 =	simm.s32 $0x0;
	s8 =	smul.u32 $0x140000, s0  }
0x9: {  	s0 =	ssub.s32 $0x2, s0;
	s22 =	simm.s32 $0x2;
	s7 =	sshll.u32 s5, $0x7  }
0xa: {  	[smem:$0x7FF] =	sst s4;
	s5 =	sshll.u32 s5, $0xB;
	s25 =	sshrl.u32 s9, $0x2  }
0xb: {  	s26 =	sshrl.u32 s0, $0x1;
	s7 =	sand.u32 $0x380, s7;
	_ =	strace $0x8000004A  }
0xc: {  	s14 =	sadd.s32 s5, s2;
	s24 =	sadd.s32 s23, s8;
	s5 =	sadd.s32 s25, s3  }
0xd: {  	s0 =	ssub.s32 s0, s26;
	s23 =	simm.s32 $0x3;
	s25 =	simm.s32 $0x8F80  }
0xe: {  	s26 =	simm.s32 $0x4;
	s6 =	sor.u32 s6, s7;
	s7 =	sshrl.u32 s24, $0x3  }
0xf: {  	s8 =	sadd.s32 $0x7800, s5;
	s9 =	sadd.s32 $0xA000, s5;
	s10 =	sadd.s32 $0xC800, s5  }
0x10: {  	s11 =	sadd.s32 $0xF000, s5;
	s12 =	sadd.s32 $0x11800, s5;
	s14 =	sadd.s32 $0x12C00, s14  }
0x11: {  	s16 =	smax.u32 s0, $0x1;
	s24 =	simm.s32 $0x50;
	s6 =	sshrl.u32 s6, $0x3  }
0x12: {  	s13 =	sadd.s32 s6, s2;
	s2 =	sadd.s32 s7, s2;
	s6 =	sadd.s32 $0x2800, s5  }
0x13: {  	v0 =	vimm.f32 $0.0e+00;
	s7 =	sadd.s32 $0x5000, s5;
	s13 =	sadd.s32 $0x22C00, s13;
	s15 =	sadd.s32 $0x2CA00, s2  }
.LBB2_1:
0x14: {  	s0 =	simm.s32 $0x0;
	s2 =	simm.s32 $0x200  }
.LBB2_2:
0x15: {  	p0 =	sne.s32 s2, $0x9E00;
	[tilespmem:s0+$0x67F0] =	vst v0  }
0x16: {  	[tilespmem:s0+$0x6780] =	vst v0  }
0x17: {  	[tilespmem:s0+$0x6790] =	vst v0  }
.Ltmp0:
0x18: {  	[tilespmem:s0+$0x67A0] =	vst v0;
	(pc) =	sbr.rel @p0 .LBB2_2-.Ltmp0, $4  }
0x19: {  	[tilespmem:s0+$0x67B0] =	vst v0  }
0x1a: {  	[tilespmem:s0+$0x67C0] =	vst v0  }
0x1b: {  	[tilespmem:s0+$0x67D0] =	vst v0  }
0x1c: {  	[tilespmem:s0+$0x67E0] =	vst v0;
	s0 =	sshra.s32 s2, $0x2;
	s2 =	sadd.s32 $0x200, s2  }
0x1d: {  	[tilespmem:s0+$0x67F0] =	vst v0  }
0x1e: {  	[tilespmem:s0+$0x6780] =	vst v0  }
0x1f: {  	[tilespmem:s0+$0x6790] =	vst v0  }
0x20: {  	[tilespmem:s0+$0x67A0] =	vst v0  }
0x21: {  	[tilespmem:s0+$0x67B0] =	vst v0  }
0x22: {  	[tilespmem:s0+$0x67C0] =	vst v0  }
0x23: {  	[tilespmem:s0+$0x67D0] =	vst v0  }
0x24: {  	[tilespmem:s0+$0x67E0] =	vst v0  }
0x25: {  	[spmem:s5] =	stream.linear.scatter [tilespmem:s17], [sflag:$0x3], $0x2800, $0x38;
	[tilespmem:$0x1F780] =	vst v63  }
0x26: {  	_ = 	snop  }
0x27: {  	[spmem:s6] =	stream.linear.scatter [tilespmem:s17], [sflag:$0x3], $0x2800, $0x38;
	[tilespmem:$0x1F780] =	vst v63  }
0x28: {  	_ = 	snop  }
0x29: {  	[spmem:s7] =	stream.linear.scatter [tilespmem:s17], [sflag:$0x3], $0x2800, $0x38;
	[tilespmem:$0x1F780] =	vst v63  }
0x2a: {  	_ = 	snop  }
0x2b: {  	[spmem:s8] =	stream.linear.scatter [tilespmem:s17], [sflag:$0x3], $0x2800, $0x38;
	[tilespmem:$0x1F780] =	vst v63  }
0x2c: {  	_ = 	snop  }
0x2d: {  	[spmem:s9] =	stream.linear.scatter [tilespmem:s17], [sflag:$0x3], $0x2800, $0x38;
	[tilespmem:$0x1F780] =	vst v63  }
0x2e: {  	_ = 	snop  }
0x2f: {  	[spmem:s10] =	stream.linear.scatter [tilespmem:s17], [sflag:$0x3], $0x2800, $0x38;
	[tilespmem:$0x1F780] =	vst v63  }
0x30: {  	_ = 	snop  }
0x31: {  	[spmem:s11] =	stream.linear.scatter [tilespmem:s17], [sflag:$0x3], $0x2800, $0x38;
	[tilespmem:$0x1F780] =	vst v63  }
0x32: {  	_ = 	snop  }
0x33: {  	[spmem:s12] =	stream.linear.scatter [tilespmem:s17], [sflag:$0x3], $0x2800, $0x38;
	[tilespmem:$0x1F780] =	vst v63  }
0x34: {  	s19 =	simm.s32 $0x0;
	s2 =	simm.s32 $0x80;
	s18 =	simm.s32 $0x400  }
0x35: {  	[tilespmem:s19], [sflag:$0x1] =	stream.strided.gather [hbm4b:s13+s2], $0x2780, s18, s2, $0x38;
	[tilespmem:$0x1F780] =	vst v63  }
0x36: {  	s20 =	simm.s32 $0x2780  }
0x37: {  	[tilespmem:s20], [sflag:$0x2] =	stream.linear.gather [hbm4b:s14+s19], $0x3E80, $0x38;
	[tilespmem:$0x1F780] =	vst v63  }
0x38: {  	_ =	swait.ge [sflag:s21], $0x2780  }
0x39: {  	[sflag:s21] =	ssyncset.done $0x0  }
0x3a: {  	[sflag:s21] =	ssyncadd.s32 $0xFFFFD880  }
0x3b: {  	_ =	swait.ge [sflag:s22], $0x3E80  }
0x3c: {  	[sflag:s22] =	ssyncset.done $0x0  }
0x3d: {  	[sflag:s22] =	ssyncadd.s32 $0xFFFFC180  }
0x3e: {  	_ =	swait.ge [sflag:s23], $0x2800  }
0x3f: {  	[sflag:s23] =	ssyncset.done $0x0  }
0x40: {  	[sflag:s23] =	ssyncadd.s32 $0xFFFFD800  }
0x41: {  	_ =	swait.ge [sflag:s23], $0x2800  }
0x42: {  	[sflag:s23] =	ssyncset.done $0x0  }
0x43: {  	[sflag:s23] =	ssyncadd.s32 $0xFFFFD800  }
0x44: {  	_ =	swait.ge [sflag:s23], $0x2800  }
0x45: {  	[sflag:s23] =	ssyncset.done $0x0  }
0x46: {  	[sflag:s23] =	ssyncadd.s32 $0xFFFFD800  }
0x47: {  	_ =	swait.ge [sflag:s23], $0x2800  }
0x48: {  	[sflag:s23] =	ssyncset.done $0x0  }
0x49: {  	[sflag:s23] =	ssyncadd.s32 $0xFFFFD800  }
0x4a: {  	_ =	swait.ge [sflag:s23], $0x2800  }
0x4b: {  	[sflag:s23] =	ssyncset.done $0x0  }
0x4c: {  	[sflag:s23] =	ssyncadd.s32 $0xFFFFD800  }
0x4d: {  	_ =	swait.ge [sflag:s23], $0x2800  }
0x4e: {  	[sflag:s23] =	ssyncset.done $0x0  }
0x4f: {  	[sflag:s23] =	ssyncadd.s32 $0xFFFFD800  }
0x50: {  	_ =	swait.ge [sflag:s23], $0x2800  }
0x51: {  	[sflag:s23] =	ssyncset.done $0x0  }
0x52: {  	[sflag:s23] =	ssyncadd.s32 $0xFFFFD800  }
0x53: {  	_ =	swait.ge [sflag:s23], $0x2800  }
0x54: {  	[sflag:s23] =	ssyncset.done $0x0  }
0x55: {  	[sflag:s23] =	ssyncadd.s32 $0xFFFFD800  }
0x56: {  	[tilespmem:s17], [sflag:$0x1] =	stream.indirect.gather [hbm4b:s1+s24], $0x80, s19, s24, $0xb8;
	[tilespmem:$0x1F780] =	vst v63  }
0x57: {  	_ = 	snop  }
0x58: {  	[tilespmem:s25], [sflag:$0x2] =	stream.indirect.gather [hbm4b:s1+s24], $0x80, s24, s24, $0xb8;
	[tilespmem:$0x1F780] =	vst v63  }
0x59: {  	[bflag:$0x0] =	sbarrier.arrive $0xFFFF  }
0x5a: {  	_ =	swait.ge [sflag:s21], $0x2800  }
0x5b: {  	[sflag:s21] =	ssyncset.done $0x0  }
0x5c: {  	s18 =	simm.s32 $0x2780;
	[sflag:s21] =	ssyncadd.s32 $0xFFFFD800  }
0x5d: {  	[spmem:s3] =	stream.indirect.scatter.add.f32 [tilespmem:s17], [sflag:$0x4], $0x80, s18, s24, $0xb8;
	[tilespmem:$0x1F780] =	vst v63  }
0x5e: {  	_ =	swait.ge [sflag:s26], $0x2800  }
0x5f: {  	[sflag:s26] =	ssyncset.done $0x0  }
0x60: {  	s19 =	simm.s32 $0xA0;
	[sflag:s26] =	ssyncadd.s32 $0xFFFFD800  }
0x61: {  	[tilespmem:s17], [sflag:$0x1] =	stream.indirect.gather [hbm4b:s1+s24], $0x80, s19, s24, $0xb8;
	[tilespmem:$0x1F780] =	vst v63  }
0x62: {  	_ =	swait.ge [sflag:s22], $0x2800  }
0x63: {  	[sflag:s22] =	ssyncset.done $0x0  }
0x64: {  	s20 =	simm.s32 $0x2800;
	[sflag:s22] =	ssyncadd.s32 $0xFFFFD800  }
0x65: {  	[spmem:s3] =	stream.indirect.scatter.add.f32 [tilespmem:s25], [sflag:$0x4], $0x80, s20, s24, $0xb8;
	[tilespmem:$0x1F780] =	vst v63  }
0x66: {  	_ =	swait.ge [sflag:s26], $0x2800  }
0x67: {  	s0 =	simm.s32 $0x400;
	[sflag:s26] =	ssyncset.done $0x0  }
0x68: {  	s2 =	simm.s32 $0xF0;
	s18 =	simm.s32 $0x190;
	[sflag:s26] =	ssyncadd.s32 $0xFFFFD800  }
.LBB2_4:
0x69: {  	[tilespmem:s25], [sflag:$0x2] =	stream.indirect.gather [hbm4b:s1+s24], $0x80, s2, s24, $0xb8;
	[tilespmem:$0x1F780] =	vst v63  }
0x6a: {  	s19 =	smov.u32 s0;
	s2 =	smov.u32 s18  }
0x6b: {  	p0 =	sne.s32 s0, $0xF000;
	s0 =	sadd.s32 $0x400, s0;
	_ =	swait.ge [sflag:s21], $0x2800  }
0x6c: {  	s19 =	sshra.s32 s19, $0x2;
	[sflag:s21] =	ssyncset.done $0x0  }
0x6d: {  	s20 =	sadd.s32 $0x2780, s19;
	[sflag:s21] =	ssyncadd.s32 $0xFFFFD800  }
0x6e: {  	[spmem:s3] =	stream.indirect.scatter.add.f32 [tilespmem:s17], [sflag:$0x4], $0x80, s20, s24, $0xb8;
	[tilespmem:$0x1F780] =	vst v63  }
0x6f: {  	_ =	swait.ge [sflag:s26], $0x2800  }
0x70: {  	[sflag:s26] =	ssyncset.done $0x0  }
0x71: {  	s20 =	sadd.s32 $0xFFFFFFB0, s18;
	[sflag:s26] =	ssyncadd.s32 $0xFFFFD800  }
0x72: {  	[tilespmem:s17], [sflag:$0x1] =	stream.indirect.gather [hbm4b:s1+s24], $0x80, s20, s24, $0xb8;
	[tilespmem:$0x1F780] =	vst v63  }
0x73: {  	_ =	swait.ge [sflag:s22], $0x2800  }
0x74: {  	[sflag:s22] =	ssyncset.done $0x0  }
.Ltmp1:
0x75: {  	s19 =	sadd.s32 $0x2800, s19;
	[sflag:s22] =	ssyncadd.s32 $0xFFFFD800;
	(pc) =	sbr.rel @p0 .LBB2_4-.Ltmp1, $4  }
0x76: {  	[spmem:s3] =	stream.indirect.scatter.add.f32 [tilespmem:s25], [sflag:$0x4], $0x80, s19, s24, $0xb8;
	[tilespmem:$0x1F780] =	vst v63  }
0x77: {  	_ =	swait.ge [sflag:s26], $0x2800  }
0x78: {  	[sflag:s26] =	ssyncset.done $0x0  }
0x79: {  	s18 =	sadd.s32 $0xA0, s18;
	[sflag:s26] =	ssyncadd.s32 $0xFFFFD800  }
0x7a: {  	[tilespmem:s25], [sflag:$0x2] =	stream.indirect.gather [hbm4b:s1+s24], $0x80, s2, s24, $0xb8;
	[tilespmem:$0x1F780] =	vst v63  }
0x7b: {  	_ =	swait.ge [sflag:s21], $0x2800  }
0x7c: {  	[sflag:s21] =	ssyncset.done $0x0  }
0x7d: {  	[sflag:s21] =	ssyncadd.s32 $0xFFFFD800  }
0x7e: {  	[spmem:s3] =	stream.indirect.scatter.add.f32 [tilespmem:s17], [sflag:$0x4], $0x80, s28, s24, $0xb8;
	[tilespmem:$0x1F780] =	vst v63  }
0x7f: {  	_ =	swait.ge [sflag:s26], $0x2800  }
0x80: {  	[sflag:s26] =	ssyncset.done $0x0  }
0x81: {  	[sflag:s26] =	ssyncadd.s32 $0xFFFFD800  }
0x82: {  	[tilespmem:s17], [sflag:$0x1] =	stream.indirect.gather [hbm4b:s1+s24], $0x80, s29, s24, $0xb8;
	[tilespmem:$0x1F780] =	vst v63  }
0x83: {  	_ =	swait.ge [sflag:s22], $0x2800  }
0x84: {  	[sflag:s22] =	ssyncset.done $0x0  }
0x85: {  	[sflag:s22] =	ssyncadd.s32 $0xFFFFD800  }
0x86: {  	[spmem:s3] =	stream.indirect.scatter.add.f32 [tilespmem:s25], [sflag:$0x4], $0x80, s30, s24, $0xb8;
	[tilespmem:$0x1F780] =	vst v63  }
0x87: {  	_ =	swait.ge [sflag:s26], $0x2800  }
0x88: {  	[sflag:s26] =	ssyncset.done $0x0  }
0x89: {  	[sflag:s26] =	ssyncadd.s32 $0xFFFFD800  }
0x8a: {  	_ =	swait.ge [sflag:s21], $0x2800  }
0x8b: {  	[sflag:s21] =	ssyncset.done $0x0  }
0x8c: {  	[sflag:s21] =	ssyncadd.s32 $0xFFFFD800  }
0x8d: {  	[spmem:s3] =	stream.indirect.scatter.add.f32 [tilespmem:s17], [sflag:$0x4], $0x80, s31, s24, $0xb8;
	[tilespmem:$0x1F780] =	vst v63  }
0x8e: {  	s0 =	stileid.u32;
	_ =	swait.ge [sflag:s26], $0x2800  }
0x8f: {  	s20 =	sshrl.u32 s5, $0x3;
	s4 =	sadd.s32 $0x1, s4;
	[sflag:s26] =	ssyncset.done $0x0  }
0x90: {  	s0 =	sshll.u32 s0, $0x6;
	p0 =	sne.s32 s4, s16;
	[sflag:s26] =	ssyncadd.s32 $0xFFFFD800  }
.Ltmp2:
0x91: {  	s0 =	sor.u32 $0x1C04, s0;
	[bflag:$0x0] =	sbarrier.arrive $0xFFFF;
	(pc) =	sbr.rel @p0 .LBB2_1-.Ltmp2, $4  }
0x92: {  	[hbm:s15], [sflag:s0] =	dma.local [spmem:s20], $0x2800  }
0x93: {  	_ =	swait.ge [sflag:s26], $0x2800  }
0x94: {  	[sflag:s26] =	ssyncset.done $0x0  }
0x95: {  	[sflag:s26] =	ssyncadd.s32 $0xFFFFD800  }
0x96: {  	_ =	sfence.sel $0x180000  }
0x97: {  	[bflag:$0x0] =	sbarrier.arrive $0xFFFF  }
0x98: {  	_ =	strace $0x9000004A  }
0x99: {  	s0 =	stileid.u32;
	[bflag:$0x2] =	sbarrier.arrive $0xFFFF  }
0x9a: {  	p0 =	sne.s32 s0, $0x0;
	s0 =	rddreg [dreg:$0x3]  }
0x9b: {  	s0 =	sadd.s32 @!p0 $0x100000, s0  }
0x9c: {  	[sflag:s0] =	ssyncadd.tile.s32 @!p0 $0x1;
	_ =	shalt  }
.Lfunc_end2:
_tile_overlayer_lowered:
.L_overlay_start_2:
0x9d: {  	(tag) =	ssettag $0x2  }
0x9e: {  	s0 =	rddreg [dreg:$0x0];
	s2 =	stileid.u32  }
0x9f: {  	s1 =	rddreg [dreg:$0x1];
	p0 =	sne.s32 s2, $0x0  }
0xa0: {  	s3 =	rddreg [dreg:$0x2];
	[bflag:$0x3] =	sbarrier.arrive $0xFFFF;
	s2 =	simm.s32 @!p0 $0x1C04  }
0xa1: {  	[timem:s3], [sflag:s2] =	dma.local @!p0 [hbm:s0], s1  }
0xa2: {  	s0 =	simm.s32 @!p0 $0x4  }
0xa3: {  	_ =	swait.ge @!p0 [sflag:s0], s1  }
0xa4: {  	s1 =	ssub.s32 @!p0 $0x0, s1;
	[sflag:s0] =	ssyncset.done @!p0 $0x0  }
0xa5: {  	[sflag:s0] =	ssyncadd.s32 @!p0 s1  }
0xa6: {  	[bflag:$0x3] =	sbarrier.arrive $0xFFFF  }
0xa7: {  	_ =	shalt  }

// kernel: kernel.14.cloned.1.call-start
scs
__scs_entry_jumppad:
0x0: {  	(pc) =	sbr.rel $0x88, $3  }
0x1: {  	(tag) =	ssettag $0x0;
	lr =	simm.s32 $0x1  }
0x2: {  	[smem:$0x3F99] =	sst lr;
	_ =	strace $0xD0000000  }
0x3: {  	_ = 	snop  }
0x4: {  	_ = 	snop  }
0x5: {  	_ = 	snop  }
0x6: {  	_ = 	snop  }
0x7: {  	_ = 	snop  }
__scs_overlays_trampoline_lowered:
0x8: {  	[smem:$0x3FA8] =	sst s0  }
0x9: {  	[smem:$0x3FA9] =	sst s1  }
0xa: {  	[smem:$0x3FAA] =	sst s2  }
0xb: {  	[smem:$0x3FAB] =	sst s3  }
0xc: {  	[smem:$0x3FAC] =	sst s4  }
0xd: {  	[smem:$0x3FAD] =	sst s5  }
0xe: {  	[smem:$0x3FAE] =	sst s6  }
0xf: {  	[smem:$0x3FAF] =	sst s7  }
0x10: {  	[smem:$0x3FB0] =	sst s8  }
0x11: {  	[smem:$0x3FB1] =	sst s9;
	s0 =	simm.s32 @!p0 $0x0  }
0x12: {  	s1 =	sld [smem:$0x3F97];
	s0 =	simm.s32 @p0 $0x1  }
0x13: {  	[smem:$0x3FB2] =	sst s0;
	s0 =	simm.s32 @!p1 $0x0  }
0x14: {  	s2 =	sld [smem:$0x3F96];
	s0 =	simm.s32 @p1 $0x1  }
0x15: {  	[smem:$0x3FB3] =	sst s0;
	s0 =	simm.s32 @!p2 $0x0  }
0x16: {  	s3 =	sld [smem:$0x3FDB];
	s0 =	simm.s32 @p2 $0x1  }
0x17: {  	s4 =	simm.s32 $0x1BF5;
	[smem:$0x3FB5] =	sst s0  }
0x18: {  	s0 =	sld [smem:$0x3F98];
	_ =	swait.ge [sflag:s4], $0x0  }
0x19: {  	s7 =	sld [smem:$0x3F99]  }
0x1a: {  	s8 =	sadd.s32 $0xFFFFE003, lr  }
0x1b: {  	s9 =	sadd.s32 $0xFFFFFEF7, lr;
	s5 =	simm.s32 $0xFFFFFFFF;
	p2 =	slt.u32 s8, $0xFFFFF086  }
0x1c: {  	p1 =	slt.u32 s9, $0xF7A;
	s5 =	simm.s32 @!p2 $0x0  }
0x1d: {  	s5 =	simm.s32 @p1 $0x1;
	p0 =	seq.s32 s7, s2  }
0x1e: {  	s7 =	smul.u32 @!p0 $0xF7A, s2;
	p2 =	seq.s32 @!p0 s5, $0x0  }
0x1f: {  	s9 =	smul.u32 $0xF7A, s1;
	s8 =	simm.s32 @!p0 $0x1BF5;
	p2 =	por !p2, p0  }
0x20: {  	[sflag:s8] =	ssyncset.s32 @!p0 $0xFFFFF086;
	s6 =	sadd.s32 @!p0 s3, s7;
	s7 =	simm.s32 @!p0 $0x108  }
0x21: {  	s3 =	sadd.s32 s3, s9;
	s6 =	sadd.s32 @!p0 $0x88, s6;
	s7 =	simm.s32 @p2 $0x1082  }
0x22: {  	[simem:s7], [sflag:s8] =	dma.local @!p0 [hbm:s6], $0xF7A  }
0x23: {  	s9 =	sor.u32 $0xD0000000, s2;
	s6 =	simm.s32 $0x108;
	_ =	swait.ge @!p0 [sflag:s8], $0x0  }
0x24: {  	s3 =	sadd.s32 $0x88, s3;
	s6 =	simm.s32 @!p1 $0x1082;
	[sflag:s4] =	ssyncset.s32 $0xFFFFF086  }
0x25: {  	[simem:s6], [sflag:s4] =	dma.local [hbm:s3], $0xF7A  }
0x26: {  	[smem:$0x3F99] =	sst s1;
	(tag) =	ssettag s2;
	_ =	strace s9  }
0x27: {  	s1 =	sld [smem:$0x3FA9]  }
0x28: {  	s2 =	sld [smem:$0x3FAA]  }
0x29: {  	s4 =	sld [smem:$0x3FAC]  }
0x2a: {  	p0 =	seq.s32 s5, $0x0;
	s5 =	sld [smem:$0x3FAD]  }
0x2b: {  	s6 =	sld [smem:$0x3FAE]  }
0x2c: {  	s7 =	sld [smem:$0x3FAF]  }
0x2d: {  	s3 =	simm.s32 $0x108;
	s8 =	sld [smem:$0x3FB0]  }
0x2e: {  	s3 =	simm.s32 @!p0 $0x1082;
	s9 =	sld [smem:$0x3FB1]  }
0x2f: {  	lr =	sadd.s32 s0, s3;
	s0 =	sld [smem:$0x3FA8]  }
0x30: {  	s3 =	sld [smem:$0x3FAB]  }
0x31: {  	[smem:$0x3FB4] =	sst s10  }
0x32: {  	s10 =	sld [smem:$0x3FB2];
	_ =	sdelay $0x3  }
0x33: {  	p0 =	seq.s32 s10, $0x1;
	s10 =	sld [smem:$0x3FB4];
	_ =	sdelay $0x3  }
0x34: {  	[smem:$0x3FB4] =	sst s10  }
0x35: {  	s10 =	sld [smem:$0x3FB3];
	_ =	sdelay $0x3  }
0x36: {  	p1 =	seq.s32 s10, $0x1;
	s10 =	sld [smem:$0x3FB4];
	_ =	sdelay $0x3  }
0x37: {  	[smem:$0x3FB4] =	sst s10  }
0x38: {  	s10 =	sld [smem:$0x3FB5]  }
0x39: {  	_ = 	snop;
	(pc) =	sbr.ind lr, $3  }
0x3a: {  	_ = 	snop  }
0x3b: {  	_ = 	snop  }
0x3c: {  	p2 =	seq.s32 s10, $0x1;
	s10 =	sld [smem:$0x3FB4]  }
0x3d: {  	_ =	shalt  }
0x3e: {  	_ =	shalt  }
0x3f: {  	_ =	shalt  }
0x40: {  	_ =	shalt  }
0x41: {  	_ =	shalt  }
0x42: {  	_ =	shalt  }
0x43: {  	_ =	shalt  }
0x44: {  	_ =	shalt  }
0x45: {  	_ =	shalt  }
0x46: {  	_ =	shalt  }
0x47: {  	_ =	shalt  }
0x48: {  	_ =	shalt  }
0x49: {  	_ =	shalt  }
0x4a: {  	_ =	shalt  }
0x4b: {  	_ =	shalt  }
0x4c: {  	_ =	shalt  }
0x4d: {  	_ =	shalt  }
0x4e: {  	_ =	shalt  }
0x4f: {  	_ =	shalt  }
0x50: {  	_ =	shalt  }
0x51: {  	_ =	shalt  }
0x52: {  	_ =	shalt  }
0x53: {  	_ =	shalt  }
0x54: {  	_ =	shalt  }
0x55: {  	_ =	shalt  }
0x56: {  	_ =	shalt  }
0x57: {  	_ =	shalt  }
0x58: {  	_ =	shalt  }
0x59: {  	_ =	shalt  }
0x5a: {  	_ =	shalt  }
0x5b: {  	_ =	shalt  }
0x5c: {  	_ =	shalt  }
0x5d: {  	_ =	shalt  }
0x5e: {  	_ =	shalt  }
0x5f: {  	_ =	shalt  }
0x60: {  	_ =	shalt  }
0x61: {  	_ =	shalt  }
0x62: {  	_ =	shalt  }
0x63: {  	_ =	shalt  }
0x64: {  	_ =	shalt  }
0x65: {  	_ =	shalt  }
0x66: {  	_ =	shalt  }
0x67: {  	_ =	shalt  }
0x68: {  	_ =	shalt  }
0x69: {  	_ =	shalt  }
0x6a: {  	_ =	shalt  }
0x6b: {  	_ =	shalt  }
0x6c: {  	_ =	shalt  }
0x6d: {  	_ =	shalt  }
0x6e: {  	_ =	shalt  }
0x6f: {  	_ =	shalt  }
0x70: {  	_ =	shalt  }
0x71: {  	_ =	shalt  }
0x72: {  	_ =	shalt  }
0x73: {  	_ =	shalt  }
0x74: {  	_ =	shalt  }
0x75: {  	_ =	shalt  }
0x76: {  	_ =	shalt  }
0x77: {  	_ =	shalt  }
0x78: {  	_ =	shalt  }
0x79: {  	_ =	shalt  }
0x7a: {  	_ =	shalt  }
0x7b: {  	_ =	shalt  }
0x7c: {  	_ =	shalt  }
0x7d: {  	_ =	shalt  }
0x7e: {  	_ =	shalt  }
0x7f: {  	_ =	shalt  }
0x80: {  	_ =	shalt  }
0x81: {  	_ =	shalt  }
0x82: {  	_ =	shalt  }
0x83: {  	_ =	shalt  }
0x84: {  	_ =	shalt  }
0x85: {  	_ =	shalt  }
0x86: {  	_ =	shalt  }
0x87: {  	_ =	shalt  }
.Lfunc_end0:
.L_simem_size_0:
called_computation.2_lowered:
.L_overlay_start_0:
0x88: {  	s2 =	sld [smem:$0x3FD9]  }
0x89: {  	s3 =	sld [smem:$0x3FFE];
	_ =	sdelay $0x1  }
0x8a: {  	s1 =	srdreg.scid  }
0x8b: {  	s0 =	sand.u32 $0x1, s1  }
0x8c: {  	s17 =	sshll.u32 s0, $0xA;
	s2 =	sadd.s32 s3, s2  }
0x8d: {  	s2 =	sadd.s32 s2, s17  }
0x8e: {  	[smem:$0x3FC0] =	sst s2  }
0x8f: {  	_ = 	snop  }
0x90: {  	s2 =	sld [smem:$0x3FD0];
	(tm) =	ssettm $0x1  }
0x91: {  	s18 =	sld [smem:$0x3FFB];
	_ =	sdelay $0x3  }
0x92: {  	_ =	strace s18  }
0x93: {  	s3 =	sld [smem:$0x3FFC];
	_ =	sdelay $0x3  }
0x94: {  	_ =	strace s3  }
0x95: {  	s3 =	sld [smem:$0x3FFD];
	_ =	sdelay $0x3  }
0x96: {  	_ =	strace s3  }
0x97: {  	_ =	strace $0x8FFFFFFF  }
0x98: {  	s19 =	sld [smem:$0x3FDB];
	_ =	sdelay $0x1  }
0x99: {  	s4 =	simm.s32 $_scs_section_size  }
0x9a: {  	s5 =	simm.s32 $_size__tile_overlayer_lowered;
	s6 =	simm.s32 $_tile_overlayer_lowered  }
0x9b: {  	s22 =	simm.s32 $0x1BFF;
	s21 =	sshll.u32 s6, $0x1;
	s3 =	sadd.s32 s4, s19  }
0x9c: {  	s7 =	simm.s32 $0x0;
	s20 =	sshll.u32 s5, $0x1;
	s5 =	sadd.s32 s21, s3  }
0x9d: {  	[timem:s7], [sflag:s22] =	dma.local [hbm:s5], s20  }
0x9e: {  	_ =	swait.ge [sflag:s22], s20  }
0x9f: {  	s4 =	ssub.s32 $0x0, s20;
	[sflag:s22] =	ssyncset.done $0x0  }
0xa0: {  	[sflag:s22] =	ssyncadd.s32 s4;
	_ =	sdelay $0x1  }
0xa1: {  	s23 =	simm.s32 $0x1B8B  }
0xa2: {  	_ =	swait.ge [sflag:s23], $0x1  }
0xa3: {  	[sflag:s23] =	ssyncset.done $0x0  }
0xa4: {  	s25 =	simm.s32 $0x1B8E;
	s24 =	sld [smem:$0x3FFE];
	[sflag:s23] =	ssyncadd.s32 $0xFFFFFFFF  }
0xa5: {  	s26 =	simm.s32 $execute0_lowered;
	[smem:$0x3FD2] =	sst s25  }
0xa6: {  	s5 =	sshll.u32 s26, $0x1;
	_ =	strace $0x8000004C;
	[dreg:$0x1] =	wrdreg $0xFFFFFFFF  }
0xa7: {  	s28 =	simm.s32 $_size_execute0_lowered;
	s3 =	sadd.s32 s3, s5;
	[dreg:$0x0] =	wrdreg $0x0  }
0xa8: {  	s5 =	sshll.u32 s28, $0x1;
	[dreg:$0x2] =	wrdreg s3  }
0xa9: {  	[dreg:$0x3] =	wrdreg s5  }
0xaa: {  	[dreg:$0x4] =	wrdreg $0xC0  }
0xab: {  	_ =	task [dreg:s7], $0x5FFFF  }
0xac: {  	[dreg:$0x1] =	wrdreg $0xFFFFFFFF  }
0xad: {  	[dreg:$0x0] =	wrdreg $0x60  }
0xae: {  	[dreg:$0x2] =	wrdreg s2  }
0xaf: {  	[dreg:$0x3] =	wrdreg s24  }
0xb0: {  	[dreg:$0x4] =	wrdreg $0xB7800  }
0xb1: {  	[dreg:$0x5] =	wrdreg $0x9  }
0xb2: {  	_ =	task.clear_ibuf [dreg:s7], $0x6FFFF;
	_ =	strace $0x9000004C  }
0xb3: {  	s29 =	simm.s32 $0x9;
	_ =	strace $0x8000004E  }
0xb4: {  	_ =	swait.ge [sflag:s29], $0x1  }
0xb5: {  	[sflag:s29] =	ssyncadd.s32 $0xFFFFFFFF  }
0xb6: {  	_ =	strace $0x9000004E  }
0xb7: {  	_ =	sfence  }
0xb8: {  	s30 =	sld [smem:$0x0];
	_ =	sdelay $0x2  }
0xb9: {  	s31 =	sshll.u32 s1, $0xD;
	s1 =	sshrl.u32 s1, $0x2  }
0xba: {  	s3 =	sand.u32 $0x4000, s31;
	s1 =	sadd.s32 s1, s30  }
0xbb: {  	s0 =	sor.u32 s3, s0;
	s1 =	sshll.u32 s1, $0x11  }
0xbc: {  	s0 =	sor.u32 s1, s0  }
0xbd: {  	s0 =	sadd.s32 $0x8F2B, s0  }
0xbe: {  	[sflag:s0] =	ssyncadd.remote.s32 $0x1  }
0xbf: {  	_ =	sfence.sel $0xFFFF  }
0xc0: {  	[dreg:$0x0] =	wrdreg $0xFFFFFFFF;
	(pc) =	sbr.abs _section_cstart, $3  }
0xc1: {  	[dreg:$0x1] =	wrdreg $0xFFFFFFFF  }
0xc2: {  	_ =	task.clear_ibuf [dreg:s7], $0x2FFFF;
	_ =	strace $0x9FFFFFFF  }
0xc3: {  	(tm) =	ssettm $0x7FFFFFFF  }
tec
execute0_lowered:
.L_overlay_start_1:
0x0: {  	(tag) =	ssettag $0x1  }
0x1: {  	s1 =	rddreg [dreg:$0x0]  }
0x2: {  	s0 =	srdreg.scid;
	s2 =	rddreg [dreg:$0x1]  }
0x3: {  	s9 =	stileid.u32;
	s3 =	rddreg [dreg:$0x2]  }
0x4: {  	s17 =	simm.s32 $0x6780;
	s21 =	simm.s32 $0x1;
	s28 =	simm.s32 $0x6480  }
0x5: {  	s29 =	simm.s32 $0x26C0;
	s30 =	simm.s32 $0x6500;
	s23 =	smul.u32 $0x14000, s9  }
0x6: {  	s4 =	sshll.u32 s9, $0x1;
	s22 =	sshrl.u32 s9, $0x2;
	s9 =	smul.u32 $0x50000, s9  }
0x7: {  	s31 =	simm.s32 $0x6580;
	s0 =	sand.u32 $0x1, s0;
	s6 =	smul.u32 $0x13C00, s22  }
0x8: {  	s5 =	sor.u32 s0, s4;
	s4 =	simm.s32 $0x0;
	s8 =	smul.u32 $0x140000, s0  }
0x9: {  	s0 =	ssub.s32 $0x2, s0;
	s22 =	simm.s32 $0x2;
	s7 =	sshll.u32 s5, $0x7  }
0xa: {  	[smem:$0x7FF] =	sst s4;
	s5 =	sshll.u32 s5, $0xB;
	s25 =	sshrl.u32 s9, $0x2  }
0xb: {  	s26 =	sshrl.u32 s0, $0x1;
	s7 =	sand.u32 $0x380, s7;
	_ =	strace $0x8000004D  }
0xc: {  	s14 =	sadd.s32 s5, s2;
	s24 =	sadd.s32 s23, s8;
	s5 =	sadd.s32 s25, s3  }
0xd: {  	s0 =	ssub.s32 s0, s26;
	s23 =	simm.s32 $0x3;
	s25 =	simm.s32 $0x8F80  }
0xe: {  	s26 =	simm.s32 $0x4;
	s6 =	sor.u32 s6, s7;
	s7 =	sshrl.u32 s24, $0x3  }
0xf: {  	s8 =	sadd.s32 $0x7800, s5;
	s9 =	sadd.s32 $0xA000, s5;
	s10 =	sadd.s32 $0xC800, s5  }
0x10: {  	s11 =	sadd.s32 $0xF000, s5;
	s12 =	sadd.s32 $0x11800, s5;
	s14 =	sadd.s32 $0x12C00, s14  }
0x11: {  	s16 =	smax.u32 s0, $0x1;
	s24 =	simm.s32 $0x50;
	s6 =	sshrl.u32 s6, $0x3  }
0x12: {  	s13 =	sadd.s32 s6, s2;
	s2 =	sadd.s32 s7, s2;
	s6 =	sadd.s32 $0x2800, s5  }
0x13: {  	v0 =	vimm.f32 $0.0e+00;
	s7 =	sadd.s32 $0x5000, s5;
	s13 =	sadd.s32 $0x22C00, s13;
	s15 =	sadd.s32 $0x2CA00, s2  }
.LBB2_1:
0x14: {  	s0 =	simm.s32 $0x0;
	s2 =	simm.s32 $0x200  }
.LBB2_2:
0x15: {  	p0 =	sne.s32 s2, $0x9E00;
	[tilespmem:s0+$0x67F0] =	vst v0  }
0x16: {  	[tilespmem:s0+$0x6780] =	vst v0  }
0x17: {  	[tilespmem:s0+$0x6790] =	vst v0  }
.Ltmp0:
0x18: {  	[tilespmem:s0+$0x67A0] =	vst v0;
	(pc) =	sbr.rel @p0 .LBB2_2-.Ltmp0, $4  }
0x19: {  	[tilespmem:s0+$0x67B0] =	vst v0  }
0x1a: {  	[tilespmem:s0+$0x67C0] =	vst v0  }
0x1b: {  	[tilespmem:s0+$0x67D0] =	vst v0  }
0x1c: {  	[tilespmem:s0+$0x67E0] =	vst v0;
	s0 =	sshra.s32 s2, $0x2;
	s2 =	sadd.s32 $0x200, s2  }
0x1d: {  	[tilespmem:s0+$0x67F0] =	vst v0  }
0x1e: {  	[tilespmem:s0+$0x6780] =	vst v0  }
0x1f: {  	[tilespmem:s0+$0x6790] =	vst v0  }
0x20: {  	[tilespmem:s0+$0x67A0] =	vst v0  }
0x21: {  	[tilespmem:s0+$0x67B0] =	vst v0  }
0x22: {  	[tilespmem:s0+$0x67C0] =	vst v0  }
0x23: {  	[tilespmem:s0+$0x67D0] =	vst v0  }
0x24: {  	[tilespmem:s0+$0x67E0] =	vst v0  }
0x25: {  	[spmem:s5] =	stream.linear.scatter [tilespmem:s17], [sflag:$0x3], $0x2800, $0x38;
	[tilespmem:$0x1F780] =	vst v63  }
0x26: {  	_ = 	snop  }
0x27: {  	[spmem:s6] =	stream.linear.scatter [tilespmem:s17], [sflag:$0x3], $0x2800, $0x38;
	[tilespmem:$0x1F780] =	vst v63  }
0x28: {  	_ = 	snop  }
0x29: {  	[spmem:s7] =	stream.linear.scatter [tilespmem:s17], [sflag:$0x3], $0x2800, $0x38;
	[tilespmem:$0x1F780] =	vst v63  }
0x2a: {  	_ = 	snop  }
0x2b: {  	[spmem:s8] =	stream.linear.scatter [tilespmem:s17], [sflag:$0x3], $0x2800, $0x38;
	[tilespmem:$0x1F780] =	vst v63  }
0x2c: {  	_ = 	snop  }
0x2d: {  	[spmem:s9] =	stream.linear.scatter [tilespmem:s17], [sflag:$0x3], $0x2800, $0x38;
	[tilespmem:$0x1F780] =	vst v63  }
0x2e: {  	_ = 	snop  }
0x2f: {  	[spmem:s10] =	stream.linear.scatter [tilespmem:s17], [sflag:$0x3], $0x2800, $0x38;
	[tilespmem:$0x1F780] =	vst v63  }
0x30: {  	_ = 	snop  }
0x31: {  	[spmem:s11] =	stream.linear.scatter [tilespmem:s17], [sflag:$0x3], $0x2800, $0x38;
	[tilespmem:$0x1F780] =	vst v63  }
0x32: {  	_ = 	snop  }
0x33: {  	[spmem:s12] =	stream.linear.scatter [tilespmem:s17], [sflag:$0x3], $0x2800, $0x38;
	[tilespmem:$0x1F780] =	vst v63  }
0x34: {  	s19 =	simm.s32 $0x0;
	s2 =	simm.s32 $0x80;
	s18 =	simm.s32 $0x400  }
0x35: {  	[tilespmem:s19], [sflag:$0x1] =	stream.strided.gather [hbm4b:s13+s2], $0x2780, s18, s2, $0x38;
	[tilespmem:$0x1F780] =	vst v63  }
0x36: {  	s20 =	simm.s32 $0x2780  }
0x37: {  	[tilespmem:s20], [sflag:$0x2] =	stream.linear.gather [hbm4b:s14+s19], $0x3E80, $0x38;
	[tilespmem:$0x1F780] =	vst v63  }
0x38: {  	_ =	swait.ge [sflag:s21], $0x2780  }
0x39: {  	[sflag:s21] =	ssyncset.done $0x0  }
0x3a: {  	[sflag:s21] =	ssyncadd.s32 $0xFFFFD880  }
0x3b: {  	_ =	swait.ge [sflag:s22], $0x3E80  }
0x3c: {  	[sflag:s22] =	ssyncset.done $0x0  }
0x3d: {  	[sflag:s22] =	ssyncadd.s32 $0xFFFFC180  }
0x3e: {  	_ =	swait.ge [sflag:s23], $0x2800  }
0x3f: {  	[sflag:s23] =	ssyncset.done $0x0  }
0x40: {  	[sflag:s23] =	ssyncadd.s32 $0xFFFFD800  }
0x41: {  	_ =	swait.ge [sflag:s23], $0x2800  }
0x42: {  	[sflag:s23] =	ssyncset.done $0x0  }
0x43: {  	[sflag:s23] =	ssyncadd.s32 $0xFFFFD800  }
0x44: {  	_ =	swait.ge [sflag:s23], $0x2800  }
0x45: {  	[sflag:s23] =	ssyncset.done $0x0  }
0x46: {  	[sflag:s23] =	ssyncadd.s32 $0xFFFFD800  }
0x47: {  	_ =	swait.ge [sflag:s23], $0x2800  }
0x48: {  	[sflag:s23] =	ssyncset.done $0x0  }
0x49: {  	[sflag:s23] =	ssyncadd.s32 $0xFFFFD800  }
0x4a: {  	_ =	swait.ge [sflag:s23], $0x2800  }
0x4b: {  	[sflag:s23] =	ssyncset.done $0x0  }
0x4c: {  	[sflag:s23] =	ssyncadd.s32 $0xFFFFD800  }
0x4d: {  	_ =	swait.ge [sflag:s23], $0x2800  }
0x4e: {  	[sflag:s23] =	ssyncset.done $0x0  }
0x4f: {  	[sflag:s23] =	ssyncadd.s32 $0xFFFFD800  }
0x50: {  	_ =	swait.ge [sflag:s23], $0x2800  }
0x51: {  	[sflag:s23] =	ssyncset.done $0x0  }
0x52: {  	[sflag:s23] =	ssyncadd.s32 $0xFFFFD800  }
0x53: {  	_ =	swait.ge [sflag:s23], $0x2800  }
0x54: {  	[sflag:s23] =	ssyncset.done $0x0  }
0x55: {  	[sflag:s23] =	ssyncadd.s32 $0xFFFFD800  }
0x56: {  	[tilespmem:s17], [sflag:$0x1] =	stream.indirect.gather [hbm4b:s1+s24], $0x80, s19, s24, $0xb8;
	[tilespmem:$0x1F780] =	vst v63  }
0x57: {  	_ = 	snop  }
0x58: {  	[tilespmem:s25], [sflag:$0x2] =	stream.indirect.gather [hbm4b:s1+s24], $0x80, s24, s24, $0xb8;
	[tilespmem:$0x1F780] =	vst v63  }
0x59: {  	[bflag:$0x0] =	sbarrier.arrive $0xFFFF  }
0x5a: {  	_ =	swait.ge [sflag:s21], $0x2800  }
0x5b: {  	[sflag:s21] =	ssyncset.done $0x0  }
0x5c: {  	s18 =	simm.s32 $0x2780;
	[sflag:s21] =	ssyncadd.s32 $0xFFFFD800  }
0x5d: {  	[spmem:s3] =	stream.indirect.scatter.add.f32 [tilespmem:s17], [sflag:$0x4], $0x80, s18, s24, $0xb8;
	[tilespmem:$0x1F780] =	vst v63  }
0x5e: {  	_ =	swait.ge [sflag:s26], $0x2800  }
0x5f: {  	[sflag:s26] =	ssyncset.done $0x0  }
0x60: {  	s19 =	simm.s32 $0xA0;
	[sflag:s26] =	ssyncadd.s32 $0xFFFFD800  }
0x61: {  	[tilespmem:s17], [sflag:$0x1] =	stream.indirect.gather [hbm4b:s1+s24], $0x80, s19, s24, $0xb8;
	[tilespmem:$0x1F780] =	vst v63  }
0x62: {  	_ =	swait.ge [sflag:s22], $0x2800  }
0x63: {  	[sflag:s22] =	ssyncset.done $0x0  }
0x64: {  	s20 =	simm.s32 $0x2800;
	[sflag:s22] =	ssyncadd.s32 $0xFFFFD800  }
0x65: {  	[spmem:s3] =	stream.indirect.scatter.add.f32 [tilespmem:s25], [sflag:$0x4], $0x80, s20, s24, $0xb8;
	[tilespmem:$0x1F780] =	vst v63  }
0x66: {  	_ =	swait.ge [sflag:s26], $0x2800  }
0x67: {  	s0 =	simm.s32 $0x400;
	[sflag:s26] =	ssyncset.done $0x0  }
0x68: {  	s2 =	simm.s32 $0xF0;
	s18 =	simm.s32 $0x190;
	[sflag:s26] =	ssyncadd.s32 $0xFFFFD800  }
.LBB2_4:
0x69: {  	[tilespmem:s25], [sflag:$0x2] =	stream.indirect.gather [hbm4b:s1+s24], $0x80, s2, s24, $0xb8;
	[tilespmem:$0x1F780] =	vst v63  }
0x6a: {  	s19 =	smov.u32 s0;
	s2 =	smov.u32 s18  }
0x6b: {  	p0 =	sne.s32 s0, $0xF000;
	s0 =	sadd.s32 $0x400, s0;
	_ =	swait.ge [sflag:s21], $0x2800  }
0x6c: {  	s19 =	sshra.s32 s19, $0x2;
	[sflag:s21] =	ssyncset.done $0x0  }
0x6d: {  	s20 =	sadd.s32 $0x2780, s19;
	[sflag:s21] =	ssyncadd.s32 $0xFFFFD800  }
0x6e: {  	[spmem:s3] =	stream.indirect.scatter.add.f32 [tilespmem:s17], [sflag:$0x4], $0x80, s20, s24, $0xb8;
	[tilespmem:$0x1F780] =	vst v63  }
0x6f: {  	_ =	swait.ge [sflag:s26], $0x2800  }
0x70: {  	[sflag:s26] =	ssyncset.done $0x0  }
0x71: {  	s20 =	sadd.s32 $0xFFFFFFB0, s18;
	[sflag:s26] =	ssyncadd.s32 $0xFFFFD800  }
0x72: {  	[tilespmem:s17], [sflag:$0x1] =	stream.indirect.gather [hbm4b:s1+s24], $0x80, s20, s24, $0xb8;
	[tilespmem:$0x1F780] =	vst v63  }
0x73: {  	_ =	swait.ge [sflag:s22], $0x2800  }
0x74: {  	[sflag:s22] =	ssyncset.done $0x0  }
.Ltmp1:
0x75: {  	s19 =	sadd.s32 $0x2800, s19;
	[sflag:s22] =	ssyncadd.s32 $0xFFFFD800;
	(pc) =	sbr.rel @p0 .LBB2_4-.Ltmp1, $4  }
0x76: {  	[spmem:s3] =	stream.indirect.scatter.add.f32 [tilespmem:s25], [sflag:$0x4], $0x80, s19, s24, $0xb8;
	[tilespmem:$0x1F780] =	vst v63  }
0x77: {  	_ =	swait.ge [sflag:s26], $0x2800  }
0x78: {  	[sflag:s26] =	ssyncset.done $0x0  }
0x79: {  	s18 =	sadd.s32 $0xA0, s18;
	[sflag:s26] =	ssyncadd.s32 $0xFFFFD800  }
0x7a: {  	[tilespmem:s25], [sflag:$0x2] =	stream.indirect.gather [hbm4b:s1+s24], $0x80, s2, s24, $0xb8;
	[tilespmem:$0x1F780] =	vst v63  }
0x7b: {  	_ =	swait.ge [sflag:s21], $0x2800  }
0x7c: {  	[sflag:s21] =	ssyncset.done $0x0  }
0x7d: {  	[sflag:s21] =	ssyncadd.s32 $0xFFFFD800  }
0x7e: {  	[spmem:s3] =	stream.indirect.scatter.add.f32 [tilespmem:s17], [sflag:$0x4], $0x80, s28, s24, $0xb8;
	[tilespmem:$0x1F780] =	vst v63  }
0x7f: {  	_ =	swait.ge [sflag:s26], $0x2800  }
0x80: {  	[sflag:s26] =	ssyncset.done $0x0  }
0x81: {  	[sflag:s26] =	ssyncadd.s32 $0xFFFFD800  }
0x82: {  	[tilespmem:s17], [sflag:$0x1] =	stream.indirect.gather [hbm4b:s1+s24], $0x80, s29, s24, $0xb8;
	[tilespmem:$0x1F780] =	vst v63  }
0x83: {  	_ =	swait.ge [sflag:s22], $0x2800  }
0x84: {  	[sflag:s22] =	ssyncset.done $0x0  }
0x85: {  	[sflag:s22] =	ssyncadd.s32 $0xFFFFD800  }
0x86: {  	[spmem:s3] =	stream.indirect.scatter.add.f32 [tilespmem:s25], [sflag:$0x4], $0x80, s30, s24, $0xb8;
	[tilespmem:$0x1F780] =	vst v63  }
0x87: {  	_ =	swait.ge [sflag:s26], $0x2800  }
0x88: {  	[sflag:s26] =	ssyncset.done $0x0  }
0x89: {  	[sflag:s26] =	ssyncadd.s32 $0xFFFFD800  }
0x8a: {  	_ =	swait.ge [sflag:s21], $0x2800  }
0x8b: {  	[sflag:s21] =	ssyncset.done $0x0  }
0x8c: {  	[sflag:s21] =	ssyncadd.s32 $0xFFFFD800  }
0x8d: {  	[spmem:s3] =	stream.indirect.scatter.add.f32 [tilespmem:s17], [sflag:$0x4], $0x80, s31, s24, $0xb8;
	[tilespmem:$0x1F780] =	vst v63  }
0x8e: {  	s0 =	stileid.u32;
	_ =	swait.ge [sflag:s26], $0x2800  }
0x8f: {  	s20 =	sshrl.u32 s5, $0x3;
	s4 =	sadd.s32 $0x1, s4;
	[sflag:s26] =	ssyncset.done $0x0  }
0x90: {  	s0 =	sshll.u32 s0, $0x6;
	p0 =	sne.s32 s4, s16;
	[sflag:s26] =	ssyncadd.s32 $0xFFFFD800  }
.Ltmp2:
0x91: {  	s0 =	sor.u32 $0x1C04, s0;
	[bflag:$0x0] =	sbarrier.arrive $0xFFFF;
	(pc) =	sbr.rel @p0 .LBB2_1-.Ltmp2, $4  }
0x92: {  	[hbm:s15], [sflag:s0] =	dma.local [spmem:s20], $0x2800  }
0x93: {  	_ =	swait.ge [sflag:s26], $0x2800  }
0x94: {  	[sflag:s26] =	ssyncset.done $0x0  }
0x95: {  	[sflag:s26] =	ssyncadd.s32 $0xFFFFD800  }
0x96: {  	_ =	sfence.sel $0x180000  }
0x97: {  	[bflag:$0x0] =	sbarrier.arrive $0xFFFF  }
0x98: {  	_ =	strace $0x9000004D  }
0x99: {  	s0 =	stileid.u32;
	[bflag:$0x2] =	sbarrier.arrive $0xFFFF  }
0x9a: {  	p0 =	sne.s32 s0, $0x0;
	s0 =	rddreg [dreg:$0x3]  }
0x9b: {  	s0 =	sadd.s32 @!p0 $0x100000, s0  }
0x9c: {  	[sflag:s0] =	ssyncadd.tile.s32 @!p0 $0x1;
	_ =	shalt  }
.Lfunc_end2:
_tile_overlayer_lowered:
.L_overlay_start_2:
0x9d: {  	(tag) =	ssettag $0x2  }
0x9e: {  	s0 =	rddreg [dreg:$0x0];
	s2 =	stileid.u32  }
0x9f: {  	s1 =	rddreg [dreg:$0x1];
	p0 =	sne.s32 s2, $0x0  }
0xa0: {  	s3 =	rddreg [dreg:$0x2];
	[bflag:$0x3] =	sbarrier.arrive $0xFFFF;
	s2 =	simm.s32 @!p0 $0x1C04  }
0xa1: {  	[timem:s3], [sflag:s2] =	dma.local @!p0 [hbm:s0], s1  }
0xa2: {  	s0 =	simm.s32 @!p0 $0x4  }
0xa3: {  	_ =	swait.ge @!p0 [sflag:s0], s1  }
0xa4: {  	s1 =	ssub.s32 @!p0 $0x0, s1;
	[sflag:s0] =	ssyncset.done @!p0 $0x0  }
0xa5: {  	[sflag:s0] =	ssyncadd.s32 @!p0 s1  }
0xa6: {  	[bflag:$0x3] =	sbarrier.arrive $0xFFFF  }
0xa7: {  	_ =	shalt  }

// kernel: kernel.8.cloned.1.call-start
scs
__scs_entry_jumppad:
0x0: {  	(pc) =	sbr.rel $0x88, $3  }
0x1: {  	(tag) =	ssettag $0x0;
	lr =	simm.s32 $0x1  }
0x2: {  	[smem:$0x3F99] =	sst lr;
	_ =	strace $0xD0000000  }
0x3: {  	_ = 	snop  }
0x4: {  	_ = 	snop  }
0x5: {  	_ = 	snop  }
0x6: {  	_ = 	snop  }
0x7: {  	_ = 	snop  }
__scs_overlays_trampoline_lowered:
0x8: {  	[smem:$0x3FA8] =	sst s0  }
0x9: {  	[smem:$0x3FA9] =	sst s1  }
0xa: {  	[smem:$0x3FAA] =	sst s2  }
0xb: {  	[smem:$0x3FAB] =	sst s3  }
0xc: {  	[smem:$0x3FAC] =	sst s4  }
0xd: {  	[smem:$0x3FAD] =	sst s5  }
0xe: {  	[smem:$0x3FAE] =	sst s6  }
0xf: {  	[smem:$0x3FAF] =	sst s7  }
0x10: {  	[smem:$0x3FB0] =	sst s8  }
0x11: {  	[smem:$0x3FB1] =	sst s9;
	s0 =	simm.s32 @!p0 $0x0  }
0x12: {  	s1 =	sld [smem:$0x3F97];
	s0 =	simm.s32 @p0 $0x1  }
0x13: {  	[smem:$0x3FB2] =	sst s0;
	s0 =	simm.s32 @!p1 $0x0  }
0x14: {  	s2 =	sld [smem:$0x3F96];
	s0 =	simm.s32 @p1 $0x1  }
0x15: {  	[smem:$0x3FB3] =	sst s0;
	s0 =	simm.s32 @!p2 $0x0  }
0x16: {  	s3 =	sld [smem:$0x3FDB];
	s0 =	simm.s32 @p2 $0x1  }
0x17: {  	s4 =	simm.s32 $0x1BF5;
	[smem:$0x3FB5] =	sst s0  }
0x18: {  	s0 =	sld [smem:$0x3F98];
	_ =	swait.ge [sflag:s4], $0x0  }
0x19: {  	s7 =	sld [smem:$0x3F99]  }
0x1a: {  	s8 =	sadd.s32 $0xFFFFE003, lr  }
0x1b: {  	s9 =	sadd.s32 $0xFFFFFEF7, lr;
	s5 =	simm.s32 $0xFFFFFFFF;
	p2 =	slt.u32 s8, $0xFFFFF086  }
0x1c: {  	p1 =	slt.u32 s9, $0xF7A;
	s5 =	simm.s32 @!p2 $0x0  }
0x1d: {  	s5 =	simm.s32 @p1 $0x1;
	p0 =	seq.s32 s7, s2  }
0x1e: {  	s7 =	smul.u32 @!p0 $0xF7A, s2;
	p2 =	seq.s32 @!p0 s5, $0x0  }
0x1f: {  	s9 =	smul.u32 $0xF7A, s1;
	s8 =	simm.s32 @!p0 $0x1BF5;
	p2 =	por !p2, p0  }
0x20: {  	[sflag:s8] =	ssyncset.s32 @!p0 $0xFFFFF086;
	s6 =	sadd.s32 @!p0 s3, s7;
	s7 =	simm.s32 @!p0 $0x108  }
0x21: {  	s3 =	sadd.s32 s3, s9;
	s6 =	sadd.s32 @!p0 $0x88, s6;
	s7 =	simm.s32 @p2 $0x1082  }
0x22: {  	[simem:s7], [sflag:s8] =	dma.local @!p0 [hbm:s6], $0xF7A  }
0x23: {  	s9 =	sor.u32 $0xD0000000, s2;
	s6 =	simm.s32 $0x108;
	_ =	swait.ge @!p0 [sflag:s8], $0x0  }
0x24: {  	s3 =	sadd.s32 $0x88, s3;
	s6 =	simm.s32 @!p1 $0x1082;
	[sflag:s4] =	ssyncset.s32 $0xFFFFF086  }
0x25: {  	[simem:s6], [sflag:s4] =	dma.local [hbm:s3], $0xF7A  }
0x26: {  	[smem:$0x3F99] =	sst s1;
	(tag) =	ssettag s2;
	_ =	strace s9  }
0x27: {  	s1 =	sld [smem:$0x3FA9]  }
0x28: {  	s2 =	sld [smem:$0x3FAA]  }
0x29: {  	s4 =	sld [smem:$0x3FAC]  }
0x2a: {  	p0 =	seq.s32 s5, $0x0;
	s5 =	sld [smem:$0x3FAD]  }
0x2b: {  	s6 =	sld [smem:$0x3FAE]  }
0x2c: {  	s7 =	sld [smem:$0x3FAF]  }
0x2d: {  	s3 =	simm.s32 $0x108;
	s8 =	sld [smem:$0x3FB0]  }
0x2e: {  	s3 =	simm.s32 @!p0 $0x1082;
	s9 =	sld [smem:$0x3FB1]  }
0x2f: {  	lr =	sadd.s32 s0, s3;
	s0 =	sld [smem:$0x3FA8]  }
0x30: {  	s3 =	sld [smem:$0x3FAB]  }
0x31: {  	[smem:$0x3FB4] =	sst s10  }
0x32: {  	s10 =	sld [smem:$0x3FB2];
	_ =	sdelay $0x3  }
0x33: {  	p0 =	seq.s32 s10, $0x1;
	s10 =	sld [smem:$0x3FB4];
	_ =	sdelay $0x3  }
0x34: {  	[smem:$0x3FB4] =	sst s10  }
0x35: {  	s10 =	sld [smem:$0x3FB3];
	_ =	sdelay $0x3  }
0x36: {  	p1 =	seq.s32 s10, $0x1;
	s10 =	sld [smem:$0x3FB4];
	_ =	sdelay $0x3  }
0x37: {  	[smem:$0x3FB4] =	sst s10  }
0x38: {  	s10 =	sld [smem:$0x3FB5]  }
0x39: {  	_ = 	snop;
	(pc) =	sbr.ind lr, $3  }
0x3a: {  	_ = 	snop  }
0x3b: {  	_ = 	snop  }
0x3c: {  	p2 =	seq.s32 s10, $0x1;
	s10 =	sld [smem:$0x3FB4]  }
0x3d: {  	_ =	shalt  }
0x3e: {  	_ =	shalt  }
0x3f: {  	_ =	shalt  }
0x40: {  	_ =	shalt  }
0x41: {  	_ =	shalt  }
0x42: {  	_ =	shalt  }
0x43: {  	_ =	shalt  }
0x44: {  	_ =	shalt  }
0x45: {  	_ =	shalt  }
0x46: {  	_ =	shalt  }
0x47: {  	_ =	shalt  }
0x48: {  	_ =	shalt  }
0x49: {  	_ =	shalt  }
0x4a: {  	_ =	shalt  }
0x4b: {  	_ =	shalt  }
0x4c: {  	_ =	shalt  }
0x4d: {  	_ =	shalt  }
0x4e: {  	_ =	shalt  }
0x4f: {  	_ =	shalt  }
0x50: {  	_ =	shalt  }
0x51: {  	_ =	shalt  }
0x52: {  	_ =	shalt  }
0x53: {  	_ =	shalt  }
0x54: {  	_ =	shalt  }
0x55: {  	_ =	shalt  }
0x56: {  	_ =	shalt  }
0x57: {  	_ =	shalt  }
0x58: {  	_ =	shalt  }
0x59: {  	_ =	shalt  }
0x5a: {  	_ =	shalt  }
0x5b: {  	_ =	shalt  }
0x5c: {  	_ =	shalt  }
0x5d: {  	_ =	shalt  }
0x5e: {  	_ =	shalt  }
0x5f: {  	_ =	shalt  }
0x60: {  	_ =	shalt  }
0x61: {  	_ =	shalt  }
0x62: {  	_ =	shalt  }
0x63: {  	_ =	shalt  }
0x64: {  	_ =	shalt  }
0x65: {  	_ =	shalt  }
0x66: {  	_ =	shalt  }
0x67: {  	_ =	shalt  }
0x68: {  	_ =	shalt  }
0x69: {  	_ =	shalt  }
0x6a: {  	_ =	shalt  }
0x6b: {  	_ =	shalt  }
0x6c: {  	_ =	shalt  }
0x6d: {  	_ =	shalt  }
0x6e: {  	_ =	shalt  }
0x6f: {  	_ =	shalt  }
0x70: {  	_ =	shalt  }
0x71: {  	_ =	shalt  }
0x72: {  	_ =	shalt  }
0x73: {  	_ =	shalt  }
0x74: {  	_ =	shalt  }
0x75: {  	_ =	shalt  }
0x76: {  	_ =	shalt  }
0x77: {  	_ =	shalt  }
0x78: {  	_ =	shalt  }
0x79: {  	_ =	shalt  }
0x7a: {  	_ =	shalt  }
0x7b: {  	_ =	shalt  }
0x7c: {  	_ =	shalt  }
0x7d: {  	_ =	shalt  }
0x7e: {  	_ =	shalt  }
0x7f: {  	_ =	shalt  }
0x80: {  	_ =	shalt  }
0x81: {  	_ =	shalt  }
0x82: {  	_ =	shalt  }
0x83: {  	_ =	shalt  }
0x84: {  	_ =	shalt  }
0x85: {  	_ =	shalt  }
0x86: {  	_ =	shalt  }
0x87: {  	_ =	shalt  }
.Lfunc_end0:
.L_simem_size_0:
called_computation_lowered:
.L_overlay_start_0:
0x88: {  	s2 =	sld [smem:$0x3FD9]  }
0x89: {  	s3 =	sld [smem:$0x3FFE];
	_ =	sdelay $0x1  }
0x8a: {  	s1 =	srdreg.scid  }
0x8b: {  	s0 =	sand.u32 $0x1, s1  }
0x8c: {  	s17 =	sshll.u32 s0, $0xA;
	s2 =	sadd.s32 s3, s2  }
0x8d: {  	s2 =	sadd.s32 s2, s17  }
0x8e: {  	[smem:$0x3FC0] =	sst s2  }
0x8f: {  	_ = 	snop  }
0x90: {  	s2 =	sld [smem:$0x3FD0];
	(tm) =	ssettm $0x1  }
0x91: {  	s18 =	sld [smem:$0x3FFB];
	_ =	sdelay $0x3  }
0x92: {  	_ =	strace s18  }
0x93: {  	s3 =	sld [smem:$0x3FFC];
	_ =	sdelay $0x3  }
0x94: {  	_ =	strace s3  }
0x95: {  	s3 =	sld [smem:$0x3FFD];
	_ =	sdelay $0x3  }
0x96: {  	_ =	strace s3  }
0x97: {  	_ =	strace $0x8FFFFFFF  }
0x98: {  	s19 =	sld [smem:$0x3FDB];
	_ =	sdelay $0x1  }
0x99: {  	s4 =	simm.s32 $_scs_section_size  }
0x9a: {  	s5 =	simm.s32 $_size__tile_overlayer_lowered;
	s6 =	simm.s32 $_tile_overlayer_lowered  }
0x9b: {  	s22 =	simm.s32 $0x1BFF;
	s21 =	sshll.u32 s6, $0x1;
	s3 =	sadd.s32 s4, s19  }
0x9c: {  	s7 =	simm.s32 $0x0;
	s20 =	sshll.u32 s5, $0x1;
	s5 =	sadd.s32 s21, s3  }
0x9d: {  	[timem:s7], [sflag:s22] =	dma.local [hbm:s5], s20  }
0x9e: {  	_ =	swait.ge [sflag:s22], s20  }
0x9f: {  	s4 =	ssub.s32 $0x0, s20;
	[sflag:s22] =	ssyncset.done $0x0  }
0xa0: {  	[sflag:s22] =	ssyncadd.s32 s4;
	_ =	sdelay $0x1  }
0xa1: {  	s23 =	simm.s32 $0x1B8B  }
0xa2: {  	_ =	swait.ge [sflag:s23], $0x1  }
0xa3: {  	[sflag:s23] =	ssyncset.done $0x0  }
0xa4: {  	s25 =	simm.s32 $0x1B8E;
	s24 =	sld [smem:$0x3FFE];
	[sflag:s23] =	ssyncadd.s32 $0xFFFFFFFF  }
0xa5: {  	s26 =	simm.s32 $execute0_lowered;
	[smem:$0x3FD2] =	sst s25  }
0xa6: {  	s5 =	sshll.u32 s26, $0x1;
	_ =	strace $0x80000046;
	[dreg:$0x1] =	wrdreg $0xFFFFFFFF  }
0xa7: {  	s28 =	simm.s32 $_size_execute0_lowered;
	s3 =	sadd.s32 s3, s5;
	[dreg:$0x0] =	wrdreg $0x0  }
0xa8: {  	s5 =	sshll.u32 s28, $0x1;
	[dreg:$0x2] =	wrdreg s3  }
0xa9: {  	[dreg:$0x3] =	wrdreg s5  }
0xaa: {  	[dreg:$0x4] =	wrdreg $0xC0  }
0xab: {  	_ =	task [dreg:s7], $0x5FFFF  }
0xac: {  	[dreg:$0x1] =	wrdreg $0xFFFFFFFF  }
0xad: {  	[dreg:$0x0] =	wrdreg $0x60  }
0xae: {  	[dreg:$0x2] =	wrdreg s24  }
0xaf: {  	[dreg:$0x3] =	wrdreg s2  }
0xb0: {  	[dreg:$0x4] =	wrdreg $0x9  }
0xb1: {  	_ =	task.clear_ibuf [dreg:s7], $0x5FFFF;
	_ =	strace $0x90000046  }
0xb2: {  	s29 =	simm.s32 $0x9;
	_ =	strace $0x80000048  }
0xb3: {  	_ =	swait.ge [sflag:s29], $0x1  }
0xb4: {  	[sflag:s29] =	ssyncadd.s32 $0xFFFFFFFF  }
0xb5: {  	_ =	strace $0x90000048  }
0xb6: {  	_ =	sfence  }
0xb7: {  	s30 =	sld [smem:$0x0];
	_ =	sdelay $0x2  }
0xb8: {  	s31 =	sshll.u32 s1, $0xD;
	s1 =	sshrl.u32 s1, $0x2  }
0xb9: {  	s3 =	sand.u32 $0x4000, s31;
	s1 =	sadd.s32 s1, s30  }
0xba: {  	s0 =	sor.u32 s3, s0;
	s1 =	sshll.u32 s1, $0x11  }
0xbb: {  	s0 =	sor.u32 s1, s0  }
0xbc: {  	s0 =	sadd.s32 $0x8F2B, s0  }
0xbd: {  	[sflag:s0] =	ssyncadd.remote.s32 $0x1  }
0xbe: {  	_ =	sfence.sel $0xFFFF  }
0xbf: {  	[dreg:$0x0] =	wrdreg $0xFFFFFFFF;
	(pc) =	sbr.abs _section_cstart, $3  }
0xc0: {  	[dreg:$0x1] =	wrdreg $0xFFFFFFFF  }
0xc1: {  	_ =	task.clear_ibuf [dreg:s7], $0x2FFFF;
	_ =	strace $0x9FFFFFFF  }
0xc2: {  	(tm) =	ssettm $0x7FFFFFFF  }
0xc3: {  	_ =	shalt  }
tec
execute0_lowered:
.L_overlay_start_1:
0x0: {  	(tag) =	ssettag $0x1  }
0x1: {  	s3 =	rddreg [dreg:$0x0]  }
0x2: {  	s4 =	rddreg [dreg:$0x1];
	s2 =	srdreg.scid  }
0x3: {  	s1 =	stileid.u32;
	s0 =	rddreg [dreg:$0x2];
	s9 =	simm.s32 $0x400  }
0x4: {  	s10 =	simm.s32 $0x0;
	s5 =	sand.u32 $0x1, s2;
	s6 =	sshll.u32 s1, $0x1  }
0x5: {  	s2 =	simm.s32 $0x0;
	s7 =	sshrl.u32 s1, $0x2;
	s6 =	sor.u32 s5, s6  }
0x6: {  	[smem:$0x7FF] =	sst s2;
	s7 =	smul.u32 $0x14000, s7;
	s5 =	ssub.s32 $0x2, s5  }
0x7: {  	s8 =	sshll.u32 s6, $0x7;
	_ =	strace $0x80000047;
	s6 =	sshll.u32 s6, $0xB  }
0x8: {  	s31 =	sshrl.u32 s5, $0x1;
	s8 =	sand.u32 $0x380, s8;
	s3 =	sadd.s32 s6, s3  }
0x9: {  	s5 =	ssub.s32 s5, s31;
	s6 =	simm.s32 $0x1;
	s7 =	sor.u32 s7, s8  }
0xa: {  	s3 =	sadd.s32 $0x12C00, s3;
	s5 =	smax.u32 s5, $0x1;
	s7 =	sshrl.u32 s7, $0x3  }
0xb: {  	v0 =	vimm.f32 $0.0e+00;
	v1 =	vimm.f32 $1.000000000e+00;
	s8 =	simm.s32 $0x80;
	s4 =	sadd.s32 s4, s7;
	s7 =	simm.s32 $0x4000  }
.LBB2_1:
0xc: {  	s11 =	simm.s32 $0x4040  }
0xd: {  	[tilespmem:s11+$0xFFFFFFC0] =	vst v0  }
0xe: {  	[tilespmem:s11+$0x30] =	vst v0  }
0xf: {  	[tilespmem:s11+$0x20] =	vst v0  }
0x10: {  	[tilespmem:s11+$0x10] =	vst v0  }
0x11: {  	[tilespmem:s11+$0x0] =	vst v0  }
0x12: {  	[tilespmem:s11+$0xFFFFFFF0] =	vst v0  }
0x13: {  	s12 =	simm.s32 $0x0;
	[tilespmem:s11+$0xFFFFFFE0] =	vst v0  }
.LBB2_2:
0x14: {  	s12 =	sadd.s32 $0x8, s12;
	[tilespmem:s11+$0xFFFFFFD0] =	vst v0;
	s11 =	sadd.s32 $0x80, s11  }
0x15: {  	[tilespmem:s11+$0xFFFFFFC0] =	vst v0;
	p0 =	slt.u32 s12, $0x278  }
0x16: {  	[tilespmem:s11+$0x30] =	vst v0  }
.Ltmp0:
0x17: {  	[tilespmem:s11+$0x20] =	vst v0;
	(pc) =	sbr.rel @p0 .LBB2_2-.Ltmp0, $4  }
0x18: {  	[tilespmem:s11+$0x10] =	vst v0  }
0x19: {  	[tilespmem:s11+$0x0] =	vst v0  }
0x1a: {  	[tilespmem:s11+$0xFFFFFFF0] =	vst v0  }
0x1b: {  	[tilespmem:s11+$0xFFFFFFE0] =	vst v0  }
0x1c: {  	[tilespmem:s11+$0xFFFFFFD0] =	vst v0  }
0x1d: {  	[tilespmem:s2], [sflag:$0x1] =	stream.linear.gather [hbm4b:s3+s2], $0x3E80, $0x38;
	[tilespmem:$0x6800] =	vst v63  }
0x1e: {  	_ =	swait.ge [sflag:s6], $0x3E80  }
0x1f: {  	[sflag:s6] =	ssyncset.done $0x0  }
0x20: {  	s11 =	simm.s32 $0xFFFFFFFC;
	s12 =	simm.s32 $0x100;
	[sflag:s6] =	ssyncadd.s32 $0xFFFFC180  }
.LBB2_4:
0x21: {  	v2 =	vld [tilespmem:s12+$0xFFFFFF00];
	_ =	sdelay $0x7  }
0x22: {  	[tilespmem:v2+s7+$0x0] =	vst.idx.add.f32.msk $0xffff, v1  }
0x23: {  	v2 =	vld [tilespmem:s12+$0xFFFFFF10];
	_ =	sdelay $0x7  }
0x24: {  	[tilespmem:v2+s7+$0x0] =	vst.idx.add.f32.msk $0xffff, v1  }
0x25: {  	v2 =	vld [tilespmem:s12+$0xFFFFFF20];
	_ =	sdelay $0x7  }
0x26: {  	[tilespmem:v2+s7+$0x0] =	vst.idx.add.f32.msk $0xffff, v1  }
0x27: {  	v2 =	vld [tilespmem:s12+$0xFFFFFF30];
	_ =	sdelay $0x7  }
0x28: {  	[tilespmem:v2+s7+$0x0] =	vst.idx.add.f32.msk $0xffff, v1  }
0x29: {  	v2 =	vld [tilespmem:s12+$0xFFFFFF40];
	_ =	sdelay $0x7  }
0x2a: {  	[tilespmem:v2+s7+$0x0] =	vst.idx.add.f32.msk $0xffff, v1  }
0x2b: {  	v2 =	vld [tilespmem:s12+$0xFFFFFF80];
	_ =	sdelay $0x7  }
0x2c: {  	[tilespmem:v2+s7+$0x0] =	vst.idx.add.f32.msk $0xffff, v1  }
0x2d: {  	v2 =	vld [tilespmem:s12+$0xFFFFFF90];
	_ =	sdelay $0x7  }
0x2e: {  	[tilespmem:v2+s7+$0x0] =	vst.idx.add.f32.msk $0xffff, v1  }
0x2f: {  	v2 =	vld [tilespmem:s12+$0xFFFFFFA0];
	_ =	sdelay $0x7  }
0x30: {  	[tilespmem:v2+s7+$0x0] =	vst.idx.add.f32.msk $0xffff, v1  }
0x31: {  	v2 =	vld [tilespmem:s12+$0xFFFFFFB0];
	_ =	sdelay $0x7  }
0x32: {  	[tilespmem:v2+s7+$0x0] =	vst.idx.add.f32.msk $0xffff, v1  }
0x33: {  	v2 =	vld [tilespmem:s12+$0xFFFFFFC0];
	_ =	sdelay $0x7  }
0x34: {  	[tilespmem:v2+s7+$0x0] =	vst.idx.add.f32.msk $0xffff, v1  }
0x35: {  	v2 =	vld [tilespmem:s12+$0x0];
	_ =	sdelay $0x7  }
0x36: {  	[tilespmem:v2+s7+$0x0] =	vst.idx.add.f32.msk $0xffff, v1  }
0x37: {  	v2 =	vld [tilespmem:s12+$0x10];
	_ =	sdelay $0x7  }
0x38: {  	[tilespmem:v2+s7+$0x0] =	vst.idx.add.f32.msk $0xffff, v1  }
0x39: {  	v2 =	vld [tilespmem:s12+$0x20];
	_ =	sdelay $0x7  }
0x3a: {  	[tilespmem:v2+s7+$0x0] =	vst.idx.add.f32.msk $0xffff, v1  }
0x3b: {  	v2 =	vld [tilespmem:s12+$0x30];
	_ =	sdelay $0x7  }
0x3c: {  	[tilespmem:v2+s7+$0x0] =	vst.idx.add.f32.msk $0xffff, v1  }
0x3d: {  	v2 =	vld [tilespmem:s12+$0x40];
	_ =	sdelay $0x7  }
0x3e: {  	[tilespmem:v2+s7+$0x0] =	vst.idx.add.f32.msk $0xffff, v1  }
0x3f: {  	v2 =	vld [tilespmem:s12+$0x80];
	_ =	sdelay $0x7  }
0x40: {  	[tilespmem:v2+s7+$0x0] =	vst.idx.add.f32.msk $0xffff, v1  }
0x41: {  	v2 =	vld [tilespmem:s12+$0x90];
	_ =	sdelay $0x7  }
0x42: {  	[tilespmem:v2+s7+$0x0] =	vst.idx.add.f32.msk $0xffff, v1  }
0x43: {  	v2 =	vld [tilespmem:s12+$0xA0];
	_ =	sdelay $0x7  }
0x44: {  	[tilespmem:v2+s7+$0x0] =	vst.idx.add.f32.msk $0xffff, v1  }
0x45: {  	v2 =	vld [tilespmem:s12+$0xB0];
	_ =	sdelay $0x7  }
0x46: {  	[tilespmem:v2+s7+$0x0] =	vst.idx.add.f32.msk $0xffff, v1  }
0x47: {  	v2 =	vld [tilespmem:s12+$0xC0];
	_ =	sdelay $0x1  }
0x48: {  	s11 =	sadd.s32 $0x4, s11  }
0x49: {  	p0 =	slt.u32 s11, $0x78  }
.Ltmp1:
0x4a: {  	_ = 	snop;
	(pc) =	sbr.rel @p0 .LBB2_4-.Ltmp1, $2  }
0x4b: {  	_ =	sdelay $0x2  }
0x4c: {  	s12 =	sadd.s32 $0x200, s12;
	[tilespmem:v2+s7+$0x0] =	vst.idx.add.f32.msk $0xffff, v1  }
0x4d: {  	v2 =	vld [tilespmem:$0x3E00];
	_ =	sdelay $0x7  }
0x4e: {  	[tilespmem:v2+s7+$0x0] =	vst.idx.add.f32.msk $0xffff, v1  }
0x4f: {  	v2 =	vld [tilespmem:$0x3E10];
	_ =	sdelay $0x7  }
0x50: {  	[tilespmem:v2+s7+$0x0] =	vst.idx.add.f32.msk $0xffff, v1  }
0x51: {  	v2 =	vld [tilespmem:$0x3E20];
	_ =	sdelay $0x7  }
0x52: {  	[tilespmem:v2+s7+$0x0] =	vst.idx.add.f32.msk $0xffff, v1  }
0x53: {  	v2 =	vld [tilespmem:$0x3E30];
	_ =	sdelay $0x7  }
0x54: {  	[tilespmem:v2+s7+$0x0] =	vst.idx.add.f32.msk $0xffff, v1  }
0x55: {  	v2 =	vld [tilespmem:$0x3E40];
	_ =	sdelay $0x5  }
0x56: {  	s10 =	sadd.s32 $0x1, s10  }
0x57: {  	p0 =	sne.s32 s10, s5  }
.Ltmp2:
0x58: {  	[tilespmem:v2+s7+$0x0] =	vst.idx.add.f32.msk $0xffff, v1;
	(pc) =	sbr.rel @p0 .LBB2_1-.Ltmp2, $4  }
0x59: {  	[hbm4b:s4+s8] =	stream.strided.scatter [tilespmem:s7], [sflag:$0x1], $0x2800, s9, s8, $0x38;
	[tilespmem:$0x6800] =	vst v63  }
0x5a: {  	_ =	swait.ge [sflag:s6], $0x2800  }
0x5b: {  	[sflag:s6] =	ssyncset.done $0x0  }
0x5c: {  	[sflag:s6] =	ssyncadd.s32 $0xFFFFD800  }
0x5d: {  	_ =	sfence.sel $0x180000  }
0x5e: {  	[bflag:$0x0] =	sbarrier.arrive $0xFFFF  }
0x5f: {  	p0 =	sne.s32 s1, $0x0;
	_ =	strace $0x90000047  }
0x60: {  	s0 =	sadd.s32 @!p0 $0x100000, s0;
	[bflag:$0x2] =	sbarrier.arrive $0xFFFF  }
0x61: {  	[sflag:s0] =	ssyncadd.tile.s32 @!p0 $0x1;
	_ =	shalt  }
.Lfunc_end2:
_tile_overlayer_lowered:
.L_overlay_start_2:
0x62: {  	(tag) =	ssettag $0x2  }
0x63: {  	s0 =	rddreg [dreg:$0x0];
	s2 =	stileid.u32  }
0x64: {  	s1 =	rddreg [dreg:$0x1];
	p0 =	sne.s32 s2, $0x0  }
0x65: {  	s3 =	rddreg [dreg:$0x2];
	[bflag:$0x3] =	sbarrier.arrive $0xFFFF;
	s2 =	simm.s32 @!p0 $0x1C01  }
0x66: {  	[timem:s3], [sflag:s2] =	dma.local @!p0 [hbm:s0], s1  }
0x67: {  	s0 =	simm.s32 @!p0 $0x1  }
0x68: {  	_ =	swait.ge @!p0 [sflag:s0], s1  }
0x69: {  	s1 =	ssub.s32 @!p0 $0x0, s1;
	[sflag:s0] =	ssyncset.done @!p0 $0x0  }
0x6a: {  	[sflag:s0] =	ssyncadd.s32 @!p0 s1  }
0x6b: {  	[bflag:$0x3] =	sbarrier.arrive $0xFFFF  }
0x6c: {  	_ =	shalt  }

</sc_bundles>
